<compile_context>
chip_gen: v7x
topology: tpu7x:2x2x1
jax: 0.10.2.dev20260603
libtpu: 0.0.44.dev20260713+nightly
codegen_flags: <defaults>
</compile_context>

<pallas_src>
import functools

import jax
import jax.numpy as jnp
from jax import lax
from jax.experimental import pallas as pl
from jax.experimental.pallas import tpu as pltpu
from jax.experimental.pallas import tpu_sc as plsc

N = 10000
NP = 10240
DUMMY = NP - 1
E = 320000
FIN = 128
FHID = 128
FOUT = 64
NC = 2
NS = 16
NW = NC * NS
K = 96
NCHUNK = 106
EPT = NCHUNK * K
ROWS_PT = NP // NS
DW = 8
RB = NP // 8
_MESH = plsc.VectorSubcoreMesh(core_axis_name="c", subcore_axis_name="s")
_SC_PARAMS = pltpu.CompilerParams(use_tc_tiling_on_sc=False)


@functools.partial(
    pl.kernel,
    out_type=[
        jax.ShapeDtypeStruct((NC, NP, DW), jnp.float32),
        jax.ShapeDtypeStruct((NC, NP, DW), jnp.float32),
    ],
    mesh=_MESH,
    compiler_params=_SC_PARAMS,
    scratch_types=[
        pltpu.VMEM((NCHUNK, K), jnp.int32),
        pltpu.VMEM((NCHUNK, K), jnp.int32),
        pltpu.VMEM((K, DW), jnp.float32),
        pltpu.VMEM_SHARED((NP, DW), jnp.float32),
        pltpu.VMEM_SHARED((NP, DW), jnp.float32),
        pltpu.SemaphoreType.DMA,
        pltpu.SemaphoreType.DMA,
        pltpu.SemaphoreType.DMA,
    ],
)
def _degrees(src_hbm, dst_hbm, ones_hbm, zeros_hbm, dego_hbm, degi_hbm,
             src_v, dst_v, ones_v, dego_s, degi_s, sem_i, sem_o, sem_d):
    c = lax.axis_index("c")
    s = lax.axis_index("s")
    wid = c * NS + s
    lo = s * ROWS_PT
    pltpu.async_copy(zeros_hbm, dego_s.at[pl.ds(lo, ROWS_PT)], sem_i)
    pltpu.async_copy(zeros_hbm, degi_s.at[pl.ds(lo, ROWS_PT)], sem_i)
    pltpu.async_copy(ones_hbm, ones_v, sem_i)
    pltpu.async_copy(src_hbm.at[wid], src_v, sem_i)
    pltpu.async_copy(dst_hbm.at[wid], dst_v, sem_i)
    pltpu.make_async_copy(zeros_hbm, dego_s.at[pl.ds(lo, ROWS_PT)], sem_i).wait()
    pltpu.make_async_copy(zeros_hbm, degi_s.at[pl.ds(lo, ROWS_PT)], sem_i).wait()
    pltpu.make_async_copy(ones_hbm, ones_v, sem_i).wait()
    pltpu.make_async_copy(src_hbm.at[wid], src_v, sem_i).wait()
    pltpu.make_async_copy(dst_hbm.at[wid], dst_v, sem_i).wait()
    plsc.subcore_barrier()

    @pl.loop(0, NCHUNK)
    def _(j):
        pltpu.async_copy(ones_v, dego_s.at[src_v.at[j]], sem_o, add=True)
        pltpu.async_copy(ones_v, degi_s.at[dst_v.at[j]], sem_d, add=True)

        @pl.when(j >= 1)
        def _():
            pltpu.make_async_copy(ones_v, dego_s.at[src_v.at[j - 1]], sem_o).wait()
            pltpu.make_async_copy(ones_v, degi_s.at[dst_v.at[j - 1]], sem_d).wait()

    pltpu.make_async_copy(ones_v, dego_s.at[src_v.at[NCHUNK - 1]], sem_o).wait()
    pltpu.make_async_copy(ones_v, degi_s.at[dst_v.at[NCHUNK - 1]], sem_d).wait()
    plsc.subcore_barrier()
    pltpu.sync_copy(dego_s.at[pl.ds(lo, ROWS_PT)], dego_hbm.at[c, pl.ds(lo, ROWS_PT)])
    pltpu.sync_copy(degi_s.at[pl.ds(lo, ROWS_PT)], degi_hbm.at[c, pl.ds(lo, ROWS_PT)])


def _make_propagate(F):
    @functools.partial(
        pl.kernel,
        out_type=jax.ShapeDtypeStruct((NC, NP, F), jnp.float32),
        mesh=_MESH,
        compiler_params=_SC_PARAMS,
        scratch_types=[
            pltpu.VMEM((NCHUNK, K), jnp.int32),
            pltpu.VMEM((NCHUNK, K), jnp.int32),
            pltpu.VMEM((K, F), jnp.float32),
            pltpu.VMEM((K, F), jnp.float32),
            pltpu.VMEM_SHARED((NP, F), jnp.float32),
            pltpu.SemaphoreType.DMA,
            pltpu.SemaphoreType.DMA,
            pltpu.SemaphoreType.DMA,
        ],
    )
    def _propagate(h_hbm, src_hbm, dst_hbm, zeros_hbm, out_hbm,
                   src_v, dst_v, rows_a, rows_b, agg, sem_a, sem_b, sem_i):
        c = lax.axis_index("c")
        s = lax.axis_index("s")
        wid = c * NS + s
        lo = s * ROWS_PT

        pltpu.async_copy(zeros_hbm, agg.at[pl.ds(lo, ROWS_PT)], sem_i)
        pltpu.async_copy(src_hbm.at[wid], src_v, sem_i)
        pltpu.async_copy(dst_hbm.at[wid], dst_v, sem_i)
        pltpu.make_async_copy(zeros_hbm, agg.at[pl.ds(lo, ROWS_PT)], sem_i).wait()
        pltpu.make_async_copy(src_hbm.at[wid], src_v, sem_i).wait()
        pltpu.make_async_copy(dst_hbm.at[wid], dst_v, sem_i).wait()

        pltpu.async_copy(h_hbm.at[src_v.at[0]], rows_a, sem_a)
        plsc.subcore_barrier()

        @pl.loop(0, NCHUNK // 2)
        def _(p):
            j = 2 * p
            pltpu.make_async_copy(h_hbm.at[src_v.at[j]], rows_a, sem_a).wait()
            pltpu.async_copy(h_hbm.at[src_v.at[j + 1]], rows_b, sem_b)
            pltpu.sync_copy(rows_a, agg.at[dst_v.at[j]], add=True)
            pltpu.make_async_copy(h_hbm.at[src_v.at[j + 1]], rows_b, sem_b).wait()

            @pl.when(j + 2 <= NCHUNK - 2)
            def _():
                pltpu.async_copy(h_hbm.at[src_v.at[j + 2]], rows_a, sem_a)

            pltpu.sync_copy(rows_b, agg.at[dst_v.at[j + 1]], add=True)

        plsc.subcore_barrier()
        pltpu.sync_copy(agg.at[pl.ds(lo, ROWS_PT)], out_hbm.at[c, pl.ds(lo, ROWS_PT)])

    return _propagate


_prop_hid = _make_propagate(FHID)
_prop_out = _make_propagate(FOUT)


def _norms_body(x_ref, dgo_ref, dgi_ref, h0_ref, no_ref, ni_ref):
    dgo = (dgo_ref[0] + dgo_ref[1])[:, 0:1]
    dgi = (dgi_ref[0] + dgi_ref[1])[:, 0:1]
    no = jnp.where(dgo > 0, lax.rsqrt(jnp.maximum(dgo, 1.0)), 0.0)
    ni = jnp.where(dgi > 0, lax.rsqrt(jnp.maximum(dgi, 1.0)), 0.0)
    no_ref[...] = no
    ni_ref[...] = ni
    h0_ref[...] = x_ref[...] * no


_norms_call = pl.pallas_call(
    _norms_body,
    grid=(NP // RB,),
    in_specs=[
        pl.BlockSpec((RB, FIN), lambda i: (i, 0)),
        pl.BlockSpec((NC, RB, DW), lambda i: (0, i, 0)),
        pl.BlockSpec((NC, RB, DW), lambda i: (0, i, 0)),
    ],
    out_specs=[
        pl.BlockSpec((RB, FIN), lambda i: (i, 0)),
        pl.BlockSpec((RB, 1), lambda i: (i, 0)),
        pl.BlockSpec((RB, 1), lambda i: (i, 0)),
    ],
    out_shape=[
        jax.ShapeDtypeStruct((NP, FIN), jnp.float32),
        jax.ShapeDtypeStruct((NP, 1), jnp.float32),
        jax.ShapeDtypeStruct((NP, 1), jnp.float32),
    ],
)


def _dense_body(p_ref, ni_ref, no_ref, w1_ref, b1_ref, w2_ref, t_ref):
    agg = (p_ref[0] + p_ref[1]) * ni_ref[...]
    h1 = jnp.dot(agg, w1_ref[...], preferred_element_type=jnp.float32)
    h1 = jnp.maximum(h1 + b1_ref[...], 0.0)
    t = jnp.dot(h1, w2_ref[...], preferred_element_type=jnp.float32)
    t_ref[...] = t * no_ref[...]


_dense_call = pl.pallas_call(
    _dense_body,
    grid=(NP // RB,),
    in_specs=[
        pl.BlockSpec((NC, RB, FHID), lambda i: (0, i, 0)),
        pl.BlockSpec((RB, 1), lambda i: (i, 0)),
        pl.BlockSpec((RB, 1), lambda i: (i, 0)),
        pl.BlockSpec((FIN, FHID), lambda i: (0, 0)),
        pl.BlockSpec((1, FHID), lambda i: (0, 0)),
        pl.BlockSpec((FHID, FOUT), lambda i: (0, 0)),
    ],
    out_specs=pl.BlockSpec((RB, FOUT), lambda i: (i, 0)),
    out_shape=jax.ShapeDtypeStruct((NP, FOUT), jnp.float32),
)


def _final_body(q_ref, ni_ref, b2_ref, out_ref):
    out_ref[...] = (q_ref[0] + q_ref[1]) * ni_ref[...] + b2_ref[...]


_final_call = pl.pallas_call(
    _final_body,
    grid=(NP // RB,),
    in_specs=[
        pl.BlockSpec((NC, RB, FOUT), lambda i: (0, i, 0)),
        pl.BlockSpec((RB, 1), lambda i: (i, 0)),
        pl.BlockSpec((1, FOUT), lambda i: (0, 0)),
    ],
    out_specs=pl.BlockSpec((RB, FOUT), lambda i: (i, 0)),
    out_shape=jax.ShapeDtypeStruct((NP, FOUT), jnp.float32),
)


def _pad_edges(e):
    e = e.astype(jnp.int32).reshape(NW, E // NW)
    pad = jnp.full((NW, EPT - E // NW), DUMMY, jnp.int32)
    return jnp.concatenate([e, pad], axis=1).reshape(NW, NCHUNK, K)


def kernel(inputs, edge_index, W1, b1, W2, b2):
    src = _pad_edges(edge_index[0])
    dst = _pad_edges(edge_index[1])
    x_pad = jnp.pad(inputs, ((0, NP - N), (0, 0)))
    ones_kw = jnp.ones((K, DW), jnp.float32)
    zeros_dw = jnp.zeros((ROWS_PT, DW), jnp.float32)
    zeros_hid = jnp.zeros((ROWS_PT, FHID), jnp.float32)
    zeros_out = jnp.zeros((ROWS_PT, FOUT), jnp.float32)
    dego, degi = _degrees(src, dst, ones_kw, zeros_dw)
    h0, no, ni = _norms_call(x_pad, dego, degi)
    p = _prop_hid(h0, src, dst, zeros_hid)
    t = _dense_call(p, ni, no, W1, b1.reshape(1, FHID), W2)
    q = _prop_out(t, src, dst, zeros_out)
    out = _final_call(q, ni, b2.reshape(1, FOUT))
    return out[:N]

# --- scband reference (transcript-rebuilt; emitter-appended) ---
"""Pipeline reference for scband-gcn-69114613728207 (READ-ONLY COPY).

The authoritative reference and input builder live on the scoring server;
editing this copy changes nothing except your own understanding.
"""

import jax, jax.numpy as jnp
import numpy as np

N_NODES = 10000
N_EDGES = 320000
IN_FEATS = 128
HIDDEN = 128
NUM_CLASSES = 64


def setup_inputs(seed: int = 0) -> dict:
    key = jax.random.key(seed)
    k1, k2, k3, k4, k5, k6 = jax.random.split(key, 6)
    inputs = jax.random.normal(k1, (N_NODES, IN_FEATS), dtype=jnp.float32)
    edge_index = jax.random.randint(k2, (2, N_EDGES), 0, N_NODES, dtype=jnp.int64)
    # GraphConv parameters (Glorot init like DGL)
    s1 = float(np.sqrt(6.0 / (IN_FEATS + HIDDEN)))
    W1 = jax.random.uniform(k3, (IN_FEATS, HIDDEN), minval=-s1, maxval=s1, dtype=jnp.float32)
    b1 = jnp.zeros((HIDDEN,), dtype=jnp.float32)
    s2 = float(np.sqrt(6.0 / (HIDDEN + NUM_CLASSES)))
    W2 = jax.random.uniform(k4, (HIDDEN, NUM_CLASSES), minval=-s2, maxval=s2, dtype=jnp.float32)
    b2 = jnp.zeros((NUM_CLASSES,), dtype=jnp.float32)
    return {"inputs": inputs, "edge_index": edge_index, "W1": W1, "b1": b1, "W2": W2, "b2": b2}


def _graph_conv(x, edge_index, W, b):
    # DGL GraphConv with norm='both':
    #   h = D_in^{-1/2} A (D_out^{-1/2} x) W + b
    src = edge_index[0]
    dst = edge_index[1]
    n = x.shape[0]
    deg_out = jnp.zeros((n,), dtype=jnp.float32).at[src].add(1.0)
    deg_in = jnp.zeros((n,), dtype=jnp.float32).at[dst].add(1.0)
    norm_out = jnp.where(deg_out > 0, jax.lax.rsqrt(jnp.maximum(deg_out, 1.0)), 0.0)
    norm_in = jnp.where(deg_in > 0, jax.lax.rsqrt(jnp.maximum(deg_in, 1.0)), 0.0)
    h = x * norm_out[:, None]
    msg = jnp.take(h, src, axis=0)
    agg = jnp.zeros_like(x).at[dst].add(msg)
    agg = agg * norm_in[:, None]
    return agg @ W + b


def reference(inputs, edge_index, W1, b1, W2, b2):
    h = _graph_conv(inputs, edge_index, W1, b1)
    h = jax.nn.relu(h)
    h = _graph_conv(h, edge_index, W2, b2)
    return h

if __name__ == "__main__":
    import jax
    _d = setup_inputs()
    print(jax.jit(kernel)(*tuple(_d.values())))

</pallas_src>

<mosaic_0001>
#map = affine_map<(d0, d1) -> (0, 0)>
#map1 = affine_map<(d0, d1) -> (0, 0, 0)>
module attributes {stable_mosaic.version = 14 : i64} {
  func.func @_propagate(%arg0: i32, %arg1: i32, %arg2: memref<10240x128xf32, #tpu.memory_space<hbm>>, %arg3: memref<32x106x96xi32, #tpu.memory_space<hbm>>, %arg4: memref<32x106x96xi32, #tpu.memory_space<hbm>>, %arg5: memref<640x128xf32, #tpu.memory_space<hbm>>, %arg6: memref<2x10240x128xf32, #tpu.memory_space<hbm>>, %arg7: memref<106x96xi32, #tpu.memory_space<vmem>>, %arg8: memref<106x96xi32, #tpu.memory_space<vmem>>, %arg9: memref<96x128xf32, #tpu.memory_space<vmem>>, %arg10: memref<96x128xf32, #tpu.memory_space<vmem>>, %arg11: memref<10240x128xf32, #tpu.memory_space<vmem_shared>>, %arg12: memref<!tpu.dma_semaphore, #tpu.memory_space<semaphore_mem>>, %arg13: memref<!tpu.dma_semaphore, #tpu.memory_space<semaphore_mem>>, %arg14: memref<!tpu.dma_semaphore, #tpu.memory_space<semaphore_mem>>) attributes {dimension_semantics = [#tpu.dimension_semantics<core_parallel>, #tpu.dimension_semantics<subcore_parallel>], iteration_bounds = array<i64: 2, 16>, scalar_prefetch = 0 : i64, scratch_operands = 8 : i64, tpu.core_type = #tpu.core_type<sc_vector_subcore>, window_params = [{transform_indices = #map}, {transform_indices = #map1}, {transform_indices = #map1}, {transform_indices = #map}, {transform_indices = #map1}]} {
    %mul3A = arith.constant 16 : i32
    %mul3A_0 = arith.muli %arg0, %mul3A : i32
    %add3A = arith.addi %mul3A_0, %arg1 : i32
    %mul3A_1 = arith.constant 640 : i32
    %mul3A_2 = arith.muli %arg1, %mul3A_1 : i32
    %dma_start3A = arith.constant 0 : i32
    %dma_start3A_3 = tpu.memref_slice %arg11[%mul3A_2, %dma_start3A] : memref<10240x128xf32, #tpu.memory_space<vmem_shared>> -> memref<640x128xf32, #tpu.memory_space<vmem_shared>>
    tpu.enqueue_dma source(%arg5 : memref<640x128xf32, #tpu.memory_space<hbm>>) target(%dma_start3A_3 : memref<640x128xf32, #tpu.memory_space<vmem_shared>>) target_semaphore(%arg14 : memref<!tpu.dma_semaphore, #tpu.memory_space<semaphore_mem>>)
    %dma_start3A_4 = arith.constant 0 : i32
    %dma_start3A_5 = arith.constant 0 : i32
    %dma_start3A_6 = tpu.memref_slice %arg3[%add3A, %dma_start3A_4, %dma_start3A_5] : memref<32x106x96xi32, #tpu.memory_space<hbm>> -> memref<1x106x96xi32, #tpu.memory_space<hbm>>
    %dma_start3A_7 = tpu.memref_squeeze %dma_start3A_6 : memref<1x106x96xi32, #tpu.memory_space<hbm>> -> memref<106x96xi32, #tpu.memory_space<hbm>>
    %dma_start3A_8 = arith.constant 0 : i32
    %dma_start3A_9 = arith.constant 0 : i32
    %dma_start3A_10 = tpu.memref_slice %arg3[%add3A, %dma_start3A_8, %dma_start3A_9] : memref<32x106x96xi32, #tpu.memory_space<hbm>> -> memref<1x106x96xi32, #tpu.memory_space<hbm>>
    %dma_start3A_11 = tpu.memref_squeeze %dma_start3A_10 : memref<1x106x96xi32, #tpu.memory_space<hbm>> -> memref<106x96xi32, #tpu.memory_space<hbm>>
    tpu.enqueue_dma source(%dma_start3A_11 : memref<106x96xi32, #tpu.memory_space<hbm>>) target(%arg7 : memref<106x96xi32, #tpu.memory_space<vmem>>) target_semaphore(%arg14 : memref<!tpu.dma_semaphore, #tpu.memory_space<semaphore_mem>>)
    %dma_start3A_12 = arith.constant 0 : i32
    %dma_start3A_13 = arith.constant 0 : i32
    %dma_start3A_14 = tpu.memref_slice %arg4[%add3A, %dma_start3A_12, %dma_start3A_13] : memref<32x106x96xi32, #tpu.memory_space<hbm>> -> memref<1x106x96xi32, #tpu.memory_space<hbm>>
    %dma_start3A_15 = tpu.memref_squeeze %dma_start3A_14 : memref<1x106x96xi32, #tpu.memory_space<hbm>> -> memref<106x96xi32, #tpu.memory_space<hbm>>
    %dma_start3A_16 = arith.constant 0 : i32
    %dma_start3A_17 = arith.constant 0 : i32
    %dma_start3A_18 = tpu.memref_slice %arg4[%add3A, %dma_start3A_16, %dma_start3A_17] : memref<32x106x96xi32, #tpu.memory_space<hbm>> -> memref<1x106x96xi32, #tpu.memory_space<hbm>>
    %dma_start3A_19 = tpu.memref_squeeze %dma_start3A_18 : memref<1x106x96xi32, #tpu.memory_space<hbm>> -> memref<106x96xi32, #tpu.memory_space<hbm>>
    tpu.enqueue_dma source(%dma_start3A_19 : memref<106x96xi32, #tpu.memory_space<hbm>>) target(%arg8 : memref<106x96xi32, #tpu.memory_space<vmem>>) target_semaphore(%arg14 : memref<!tpu.dma_semaphore, #tpu.memory_space<semaphore_mem>>)
    %dma_wait3A = arith.constant 0 : i32
    %dma_wait3A_20 = tpu.memref_slice %arg11[%mul3A_2, %dma_wait3A] : memref<10240x128xf32, #tpu.memory_space<vmem_shared>> -> memref<640x128xf32, #tpu.memory_space<vmem_shared>>
    tpu.wait_dma2 semaphore(%arg14 : memref<!tpu.dma_semaphore, #tpu.memory_space<semaphore_mem>>) src(%arg5 : memref<640x128xf32, #tpu.memory_space<hbm>>) dst(%dma_wait3A_20 : memref<640x128xf32, #tpu.memory_space<vmem_shared>>)
    %dma_wait3A_21 = arith.constant 0 : i32
    %dma_wait3A_22 = arith.constant 0 : i32
    %dma_wait3A_23 = tpu.memref_slice %arg3[%add3A, %dma_wait3A_21, %dma_wait3A_22] : memref<32x106x96xi32, #tpu.memory_space<hbm>> -> memref<1x106x96xi32, #tpu.memory_space<hbm>>
    %dma_wait3A_24 = tpu.memref_squeeze %dma_wait3A_23 : memref<1x106x96xi32, #tpu.memory_space<hbm>> -> memref<106x96xi32, #tpu.memory_space<hbm>>
    %dma_wait3A_25 = arith.constant 0 : i32
    %dma_wait3A_26 = arith.constant 0 : i32
    %dma_wait3A_27 = tpu.memref_slice %arg3[%add3A, %dma_wait3A_25, %dma_wait3A_26] : memref<32x106x96xi32, #tpu.memory_space<hbm>> -> memref<1x106x96xi32, #tpu.memory_space<hbm>>
    %dma_wait3A_28 = tpu.memref_squeeze %dma_wait3A_27 : memref<1x106x96xi32, #tpu.memory_space<hbm>> -> memref<106x96xi32, #tpu.memory_space<hbm>>
    tpu.wait_dma2 semaphore(%arg14 : memref<!tpu.dma_semaphore, #tpu.memory_space<semaphore_mem>>) src(%dma_wait3A_28 : memref<106x96xi32, #tpu.memory_space<hbm>>) dst(%arg7 : memref<106x96xi32, #tpu.memory_space<vmem>>)
    %dma_wait3A_29 = arith.constant 0 : i32
    %dma_wait3A_30 = arith.constant 0 : i32
    %dma_wait3A_31 = tpu.memref_slice %arg4[%add3A, %dma_wait3A_29, %dma_wait3A_30] : memref<32x106x96xi32, #tpu.memory_space<hbm>> -> memref<1x106x96xi32, #tpu.memory_space<hbm>>
    %dma_wait3A_32 = tpu.memref_squeeze %dma_wait3A_31 : memref<1x106x96xi32, #tpu.memory_space<hbm>> -> memref<106x96xi32, #tpu.memory_space<hbm>>
    %dma_wait3A_33 = arith.constant 0 : i32
    %dma_wait3A_34 = arith.constant 0 : i32
    %dma_wait3A_35 = tpu.memref_slice %arg4[%add3A, %dma_wait3A_33, %dma_wait3A_34] : memref<32x106x96xi32, #tpu.memory_space<hbm>> -> memref<1x106x96xi32, #tpu.memory_space<hbm>>
    %dma_wait3A_36 = tpu.memref_squeeze %dma_wait3A_35 : memref<1x106x96xi32, #tpu.memory_space<hbm>> -> memref<106x96xi32, #tpu.memory_space<hbm>>
    tpu.wait_dma2 semaphore(%arg14 : memref<!tpu.dma_semaphore, #tpu.memory_space<semaphore_mem>>) src(%dma_wait3A_36 : memref<106x96xi32, #tpu.memory_space<hbm>>) dst(%arg8 : memref<106x96xi32, #tpu.memory_space<vmem>>)
    %dma_start3A_37 = arith.constant 0 : i32
    %dma_start3A_38 = arith.constant 0 : i32
    %dma_start3A_39 = tpu.memref_slice %arg7[%dma_start3A_37, %dma_start3A_38] : memref<106x96xi32, #tpu.memory_space<vmem>> -> memref<1x96xi32, #tpu.memory_space<vmem>>
    %dma_start3A_40 = tpu.memref_squeeze %dma_start3A_39 : memref<1x96xi32, #tpu.memory_space<vmem>> -> memref<96xi32, #tpu.memory_space<vmem>>
    %dma_start3A_41 = arith.constant 0 : i32
    %dma_start3A_42 = arith.constant 0 : i32
    %dma_start3A_43 = tpu.memref_slice %arg2[%dma_start3A_41, %dma_start3A_42] : memref<10240x128xf32, #tpu.memory_space<hbm>> -> memref<10240x128xf32, #tpu.memory_space<hbm>>
    tpu.enqueue_indirect_dma source(%dma_start3A_43 : memref<10240x128xf32, #tpu.memory_space<hbm>>) target(%arg9 : memref<96x128xf32, #tpu.memory_space<vmem>>) offsets(%dma_start3A_40 : memref<96xi32, #tpu.memory_space<vmem>>) semaphore(%arg12 : memref<!tpu.dma_semaphore, #tpu.memory_space<semaphore_mem>>)
    %barrier3A = arith.constant 0 : index
    tpu.barrier barrier_id(%barrier3A)
    %scan3A = arith.constant 0 : i32
    %scan3A_44 = arith.constant 53 : i32
    %scan3A_45 = arith.addi %scan3A, %scan3A_44 : i32
    %scan3A_46 = arith.constant 1 : i32
    scf.for %scan3A_49 = %scan3A to %scan3A_45 step %scan3A_46  : i32 {
      %mul3A_50 = arith.constant 1 : i32
      %mul3A_51 = arith.muli %scan3A_49, %mul3A_50 : i32
      %add3A_52 = arith.constant 0 : i32
      %add3A_53 = arith.addi %add3A_52, %mul3A_51 : i32
      %mul3A_54 = arith.constant 2 : i32
      %mul3A_55 = arith.muli %mul3A_54, %add3A_53 : i32
      %dma_wait3A_56 = arith.constant 0 : i32
      %dma_wait3A_57 = tpu.memref_slice %arg7[%mul3A_55, %dma_wait3A_56] : memref<106x96xi32, #tpu.memory_space<vmem>> -> memref<1x96xi32, #tpu.memory_space<vmem>>
      %dma_wait3A_58 = tpu.memref_squeeze %dma_wait3A_57 : memref<1x96xi32, #tpu.memory_space<vmem>> -> memref<96xi32, #tpu.memory_space<vmem>>
      %dma_wait3A_59 = arith.constant 0 : i32
      %dma_wait3A_60 = arith.constant 0 : i32
      %dma_wait3A_61 = tpu.memref_slice %arg2[%dma_wait3A_59, %dma_wait3A_60] : memref<10240x128xf32, #tpu.memory_space<hbm>> -> memref<10240x128xf32, #tpu.memory_space<hbm>>
      tpu.wait_indirect_dma semaphore(%arg12 : memref<!tpu.dma_semaphore, #tpu.memory_space<semaphore_mem>>) src(%dma_wait3A_61 : memref<10240x128xf32, #tpu.memory_space<hbm>>) dst(%arg9 : memref<96x128xf32, #tpu.memory_space<vmem>>)
      %add3A_62 = arith.constant 1 : i32
      %add3A_63 = arith.addi %mul3A_55, %add3A_62 : i32
      %dma_start3A_64 = arith.constant 0 : i32
      %dma_start3A_65 = tpu.memref_slice %arg7[%add3A_63, %dma_start3A_64] : memref<106x96xi32, #tpu.memory_space<vmem>> -> memref<1x96xi32, #tpu.memory_space<vmem>>
      %dma_start3A_66 = tpu.memref_squeeze %dma_start3A_65 : memref<1x96xi32, #tpu.memory_space<vmem>> -> memref<96xi32, #tpu.memory_space<vmem>>
      %dma_start3A_67 = arith.constant 0 : i32
      %dma_start3A_68 = arith.constant 0 : i32
      %dma_start3A_69 = tpu.memref_slice %arg2[%dma_start3A_67, %dma_start3A_68] : memref<10240x128xf32, #tpu.memory_space<hbm>> -> memref<10240x128xf32, #tpu.memory_space<hbm>>
      tpu.enqueue_indirect_dma source(%dma_start3A_69 : memref<10240x128xf32, #tpu.memory_space<hbm>>) target(%arg10 : memref<96x128xf32, #tpu.memory_space<vmem>>) offsets(%dma_start3A_66 : memref<96xi32, #tpu.memory_space<vmem>>) semaphore(%arg13 : memref<!tpu.dma_semaphore, #tpu.memory_space<semaphore_mem>>)
      "tpu.region"() ({
        %run_scoped3A = tpu.sem_alloc : memref<!tpu.dma_semaphore, #tpu.memory_space<semaphore_mem>>
        %dma_start3A_84 = arith.constant 0 : i32
        %dma_start3A_85 = tpu.memref_slice %arg8[%mul3A_55, %dma_start3A_84] : memref<106x96xi32, #tpu.memory_space<vmem>> -> memref<1x96xi32, #tpu.memory_space<vmem>>
        %dma_start3A_86 = tpu.memref_squeeze %dma_start3A_85 : memref<1x96xi32, #tpu.memory_space<vmem>> -> memref<96xi32, #tpu.memory_space<vmem>>
        %dma_start3A_87 = arith.constant 0 : i32
        %dma_start3A_88 = arith.constant 0 : i32
        %dma_start3A_89 = tpu.memref_slice %arg11[%dma_start3A_87, %dma_start3A_88] : memref<10240x128xf32, #tpu.memory_space<vmem_shared>> -> memref<10240x128xf32, #tpu.memory_space<vmem_shared>>
        tpu.enqueue_indirect_dma source(%arg9 : memref<96x128xf32, #tpu.memory_space<vmem>>) target(%dma_start3A_89 : memref<10240x128xf32, #tpu.memory_space<vmem_shared>>) offsets(%dma_start3A_86 : memref<96xi32, #tpu.memory_space<vmem>>) semaphore(%run_scoped3A : memref<!tpu.dma_semaphore, #tpu.memory_space<semaphore_mem>>) {add = true}
        %dma_wait3A_90 = arith.constant 0 : i32
        %dma_wait3A_91 = tpu.memref_slice %arg8[%mul3A_55, %dma_wait3A_90] : memref<106x96xi32, #tpu.memory_space<vmem>> -> memref<1x96xi32, #tpu.memory_space<vmem>>
        %dma_wait3A_92 = tpu.memref_squeeze %dma_wait3A_91 : memref<1x96xi32, #tpu.memory_space<vmem>> -> memref<96xi32, #tpu.memory_space<vmem>>
        %dma_wait3A_93 = arith.constant 0 : i32
        %dma_wait3A_94 = arith.constant 0 : i32
        %dma_wait3A_95 = tpu.memref_slice %arg11[%dma_wait3A_93, %dma_wait3A_94] : memref<10240x128xf32, #tpu.memory_space<vmem_shared>> -> memref<10240x128xf32, #tpu.memory_space<vmem_shared>>
        tpu.wait_indirect_dma semaphore(%run_scoped3A : memref<!tpu.dma_semaphore, #tpu.memory_space<semaphore_mem>>) src(%arg9 : memref<96x128xf32, #tpu.memory_space<vmem>>) dst(%dma_wait3A_95 : memref<10240x128xf32, #tpu.memory_space<vmem_shared>>)
        tpu.yield
      }) : () -> ()
      %add3A_70 = arith.constant 1 : i32
      %add3A_71 = arith.addi %mul3A_55, %add3A_70 : i32
      %dma_wait3A_72 = arith.constant 0 : i32
      %dma_wait3A_73 = tpu.memref_slice %arg7[%add3A_71, %dma_wait3A_72] : memref<106x96xi32, #tpu.memory_space<vmem>> -> memref<1x96xi32, #tpu.memory_space<vmem>>
      %dma_wait3A_74 = tpu.memref_squeeze %dma_wait3A_73 : memref<1x96xi32, #tpu.memory_space<vmem>> -> memref<96xi32, #tpu.memory_space<vmem>>
      %dma_wait3A_75 = arith.constant 0 : i32
      %dma_wait3A_76 = arith.constant 0 : i32
      %dma_wait3A_77 = tpu.memref_slice %arg2[%dma_wait3A_75, %dma_wait3A_76] : memref<10240x128xf32, #tpu.memory_space<hbm>> -> memref<10240x128xf32, #tpu.memory_space<hbm>>
      tpu.wait_indirect_dma semaphore(%arg13 : memref<!tpu.dma_semaphore, #tpu.memory_space<semaphore_mem>>) src(%dma_wait3A_77 : memref<10240x128xf32, #tpu.memory_space<hbm>>) dst(%arg10 : memref<96x128xf32, #tpu.memory_space<vmem>>)
      %add3A_78 = arith.constant 2 : i32
      %add3A_79 = arith.addi %mul3A_55, %add3A_78 : i32
      %le3A = arith.constant 104 : i32
      %le3A_80 = arith.cmpi sle, %add3A_79, %le3A : i32
      %convert_element_type3A = arith.extui %le3A_80 : i1 to i32
      %cond3A = arith.constant 0 : i32
      %cond3A_81 = arith.cmpi ne, %convert_element_type3A, %cond3A : i32
      scf.if %cond3A_81 {
        %add3A_84 = arith.constant 2 : i32
        %add3A_85 = arith.addi %mul3A_55, %add3A_84 : i32
        %dma_start3A_86 = arith.constant 0 : i32
        %dma_start3A_87 = tpu.memref_slice %arg7[%add3A_85, %dma_start3A_86] : memref<106x96xi32, #tpu.memory_space<vmem>> -> memref<1x96xi32, #tpu.memory_space<vmem>>
        %dma_start3A_88 = tpu.memref_squeeze %dma_start3A_87 : memref<1x96xi32, #tpu.memory_space<vmem>> -> memref<96xi32, #tpu.memory_space<vmem>>
        %dma_start3A_89 = arith.constant 0 : i32
        %dma_start3A_90 = arith.constant 0 : i32
        %dma_start3A_91 = tpu.memref_slice %arg2[%dma_start3A_89, %dma_start3A_90] : memref<10240x128xf32, #tpu.memory_space<hbm>> -> memref<10240x128xf32, #tpu.memory_space<hbm>>
        tpu.enqueue_indirect_dma source(%dma_start3A_91 : memref<10240x128xf32, #tpu.memory_space<hbm>>) target(%arg9 : memref<96x128xf32, #tpu.memory_space<vmem>>) offsets(%dma_start3A_88 : memref<96xi32, #tpu.memory_space<vmem>>) semaphore(%arg12 : memref<!tpu.dma_semaphore, #tpu.memory_space<semaphore_mem>>)
      } else {
      }
      %add3A_82 = arith.constant 1 : i32
      %add3A_83 = arith.addi %mul3A_55, %add3A_82 : i32
      "tpu.region"() ({
        %run_scoped3A = tpu.sem_alloc : memref<!tpu.dma_semaphore, #tpu.memory_space<semaphore_mem>>
        %dma_start3A_84 = arith.constant 0 : i32
        %dma_start3A_85 = tpu.memref_slice %arg8[%add3A_83, %dma_start3A_84] : memref<106x96xi32, #tpu.memory_space<vmem>> -> memref<1x96xi32, #tpu.memory_space<vmem>>
        %dma_start3A_86 = tpu.memref_squeeze %dma_start3A_85 : memref<1x96xi32, #tpu.memory_space<vmem>> -> memref<96xi32, #tpu.memory_space<vmem>>
        %dma_start3A_87 = arith.constant 0 : i32
        %dma_start3A_88 = arith.constant 0 : i32
        %dma_start3A_89 = tpu.memref_slice %arg11[%dma_start3A_87, %dma_start3A_88] : memref<10240x128xf32, #tpu.memory_space<vmem_shared>> -> memref<10240x128xf32, #tpu.memory_space<vmem_shared>>
        tpu.enqueue_indirect_dma source(%arg10 : memref<96x128xf32, #tpu.memory_space<vmem>>) target(%dma_start3A_89 : memref<10240x128xf32, #tpu.memory_space<vmem_shared>>) offsets(%dma_start3A_86 : memref<96xi32, #tpu.memory_space<vmem>>) semaphore(%run_scoped3A : memref<!tpu.dma_semaphore, #tpu.memory_space<semaphore_mem>>) {add = true}
        %dma_wait3A_90 = arith.constant 0 : i32
        %dma_wait3A_91 = tpu.memref_slice %arg8[%add3A_83, %dma_wait3A_90] : memref<106x96xi32, #tpu.memory_space<vmem>> -> memref<1x96xi32, #tpu.memory_space<vmem>>
        %dma_wait3A_92 = tpu.memref_squeeze %dma_wait3A_91 : memref<1x96xi32, #tpu.memory_space<vmem>> -> memref<96xi32, #tpu.memory_space<vmem>>
        %dma_wait3A_93 = arith.constant 0 : i32
        %dma_wait3A_94 = arith.constant 0 : i32
        %dma_wait3A_95 = tpu.memref_slice %arg11[%dma_wait3A_93, %dma_wait3A_94] : memref<10240x128xf32, #tpu.memory_space<vmem_shared>> -> memref<10240x128xf32, #tpu.memory_space<vmem_shared>>
        tpu.wait_indirect_dma semaphore(%run_scoped3A : memref<!tpu.dma_semaphore, #tpu.memory_space<semaphore_mem>>) src(%arg10 : memref<96x128xf32, #tpu.memory_space<vmem>>) dst(%dma_wait3A_95 : memref<10240x128xf32, #tpu.memory_space<vmem_shared>>)
        tpu.yield
      }) : () -> ()
    }
    %scan3A_47 = arith.constant 53 : i32
    %barrier3A_48 = arith.constant 0 : index
    tpu.barrier barrier_id(%barrier3A_48)
    "tpu.region"() ({
      %run_scoped3A = tpu.sem_alloc : memref<!tpu.dma_semaphore, #tpu.memory_space<semaphore_mem>>
      %dma_start3A_49 = arith.constant 0 : i32
      %dma_start3A_50 = tpu.memref_slice %arg6[%arg0, %mul3A_2, %dma_start3A_49] : memref<2x10240x128xf32, #tpu.memory_space<hbm>> -> memref<1x640x128xf32, #tpu.memory_space<hbm>>
      %dma_start3A_51 = tpu.memref_squeeze %dma_start3A_50 : memref<1x640x128xf32, #tpu.memory_space<hbm>> -> memref<640x128xf32, #tpu.memory_space<hbm>>
      %dma_start3A_52 = arith.constant 0 : i32
      %dma_start3A_53 = tpu.memref_slice %arg11[%mul3A_2, %dma_start3A_52] : memref<10240x128xf32, #tpu.memory_space<vmem_shared>> -> memref<640x128xf32, #tpu.memory_space<vmem_shared>>
      tpu.enqueue_dma source(%dma_start3A_53 : memref<640x128xf32, #tpu.memory_space<vmem_shared>>) target(%dma_start3A_51 : memref<640x128xf32, #tpu.memory_space<hbm>>) target_semaphore(%run_scoped3A : memref<!tpu.dma_semaphore, #tpu.memory_space<semaphore_mem>>)
      %dma_wait3A_54 = arith.constant 0 : i32
      %dma_wait3A_55 = tpu.memref_slice %arg6[%arg0, %mul3A_2, %dma_wait3A_54] : memref<2x10240x128xf32, #tpu.memory_space<hbm>> -> memref<1x640x128xf32, #tpu.memory_space<hbm>>
      %dma_wait3A_56 = tpu.memref_squeeze %dma_wait3A_55 : memref<1x640x128xf32, #tpu.memory_space<hbm>> -> memref<640x128xf32, #tpu.memory_space<hbm>>
      %dma_wait3A_57 = arith.constant 0 : i32
      %dma_wait3A_58 = tpu.memref_slice %arg11[%mul3A_2, %dma_wait3A_57] : memref<10240x128xf32, #tpu.memory_space<vmem_shared>> -> memref<640x128xf32, #tpu.memory_space<vmem_shared>>
      tpu.wait_dma2 semaphore(%run_scoped3A : memref<!tpu.dma_semaphore, #tpu.memory_space<semaphore_mem>>) src(%dma_wait3A_58 : memref<640x128xf32, #tpu.memory_space<vmem_shared>>) dst(%dma_wait3A_56 : memref<640x128xf32, #tpu.memory_space<hbm>>)
      tpu.yield
    }) : () -> ()
    return
  }
}

#map = affine_map<(d0, d1) -> (0, 0, 0)>
#map1 = affine_map<(d0, d1) -> (0, 0)>
module attributes {stable_mosaic.version = 14 : i64} {
  func.func @_degrees(%arg0: i32, %arg1: i32, %arg2: memref<32x106x96xi32, #tpu.memory_space<hbm>>, %arg3: memref<32x106x96xi32, #tpu.memory_space<hbm>>, %arg4: memref<96x8xf32, #tpu.memory_space<hbm>>, %arg5: memref<640x8xf32, #tpu.memory_space<hbm>>, %arg6: memref<2x10240x8xf32, #tpu.memory_space<hbm>>, %arg7: memref<2x10240x8xf32, #tpu.memory_space<hbm>>, %arg8: memref<106x96xi32, #tpu.memory_space<vmem>>, %arg9: memref<106x96xi32, #tpu.memory_space<vmem>>, %arg10: memref<96x8xf32, #tpu.memory_space<vmem>>, %arg11: memref<10240x8xf32, #tpu.memory_space<vmem_shared>>, %arg12: memref<10240x8xf32, #tpu.memory_space<vmem_shared>>, %arg13: memref<!tpu.dma_semaphore, #tpu.memory_space<semaphore_mem>>, %arg14: memref<!tpu.dma_semaphore, #tpu.memory_space<semaphore_mem>>, %arg15: memref<!tpu.dma_semaphore, #tpu.memory_space<semaphore_mem>>) attributes {dimension_semantics = [#tpu.dimension_semantics<core_parallel>, #tpu.dimension_semantics<subcore_parallel>], iteration_bounds = array<i64: 2, 16>, scalar_prefetch = 0 : i64, scratch_operands = 8 : i64, tpu.core_type = #tpu.core_type<sc_vector_subcore>, window_params = [{transform_indices = #map}, {transform_indices = #map}, {transform_indices = #map1}, {transform_indices = #map1}, {transform_indices = #map}, {transform_indices = #map}]} {
    %mul3A = arith.constant 16 : i32
    %mul3A_0 = arith.muli %arg0, %mul3A : i32
    %add3A = arith.addi %mul3A_0, %arg1 : i32
    %mul3A_1 = arith.constant 640 : i32
    %mul3A_2 = arith.muli %arg1, %mul3A_1 : i32
    %dma_start3A = arith.constant 0 : i32
    %dma_start3A_3 = tpu.memref_slice %arg11[%mul3A_2, %dma_start3A] : memref<10240x8xf32, #tpu.memory_space<vmem_shared>> -> memref<640x8xf32, #tpu.memory_space<vmem_shared>>
    tpu.enqueue_dma source(%arg5 : memref<640x8xf32, #tpu.memory_space<hbm>>) target(%dma_start3A_3 : memref<640x8xf32, #tpu.memory_space<vmem_shared>>) target_semaphore(%arg13 : memref<!tpu.dma_semaphore, #tpu.memory_space<semaphore_mem>>)
    %dma_start3A_4 = arith.constant 0 : i32
    %dma_start3A_5 = tpu.memref_slice %arg12[%mul3A_2, %dma_start3A_4] : memref<10240x8xf32, #tpu.memory_space<vmem_shared>> -> memref<640x8xf32, #tpu.memory_space<vmem_shared>>
    tpu.enqueue_dma source(%arg5 : memref<640x8xf32, #tpu.memory_space<hbm>>) target(%dma_start3A_5 : memref<640x8xf32, #tpu.memory_space<vmem_shared>>) target_semaphore(%arg13 : memref<!tpu.dma_semaphore, #tpu.memory_space<semaphore_mem>>)
    tpu.enqueue_dma source(%arg4 : memref<96x8xf32, #tpu.memory_space<hbm>>) target(%arg10 : memref<96x8xf32, #tpu.memory_space<vmem>>) target_semaphore(%arg13 : memref<!tpu.dma_semaphore, #tpu.memory_space<semaphore_mem>>)
    %dma_start3A_6 = arith.constant 0 : i32
    %dma_start3A_7 = arith.constant 0 : i32
    %dma_start3A_8 = tpu.memref_slice %arg2[%add3A, %dma_start3A_6, %dma_start3A_7] : memref<32x106x96xi32, #tpu.memory_space<hbm>> -> memref<1x106x96xi32, #tpu.memory_space<hbm>>
    %dma_start3A_9 = tpu.memref_squeeze %dma_start3A_8 : memref<1x106x96xi32, #tpu.memory_space<hbm>> -> memref<106x96xi32, #tpu.memory_space<hbm>>
    %dma_start3A_10 = arith.constant 0 : i32
    %dma_start3A_11 = arith.constant 0 : i32
    %dma_start3A_12 = tpu.memref_slice %arg2[%add3A, %dma_start3A_10, %dma_start3A_11] : memref<32x106x96xi32, #tpu.memory_space<hbm>> -> memref<1x106x96xi32, #tpu.memory_space<hbm>>
    %dma_start3A_13 = tpu.memref_squeeze %dma_start3A_12 : memref<1x106x96xi32, #tpu.memory_space<hbm>> -> memref<106x96xi32, #tpu.memory_space<hbm>>
    tpu.enqueue_dma source(%dma_start3A_13 : memref<106x96xi32, #tpu.memory_space<hbm>>) target(%arg8 : memref<106x96xi32, #tpu.memory_space<vmem>>) target_semaphore(%arg13 : memref<!tpu.dma_semaphore, #tpu.memory_space<semaphore_mem>>)
    %dma_start3A_14 = arith.constant 0 : i32
    %dma_start3A_15 = arith.constant 0 : i32
    %dma_start3A_16 = tpu.memref_slice %arg3[%add3A, %dma_start3A_14, %dma_start3A_15] : memref<32x106x96xi32, #tpu.memory_space<hbm>> -> memref<1x106x96xi32, #tpu.memory_space<hbm>>
    %dma_start3A_17 = tpu.memref_squeeze %dma_start3A_16 : memref<1x106x96xi32, #tpu.memory_space<hbm>> -> memref<106x96xi32, #tpu.memory_space<hbm>>
    %dma_start3A_18 = arith.constant 0 : i32
    %dma_start3A_19 = arith.constant 0 : i32
    %dma_start3A_20 = tpu.memref_slice %arg3[%add3A, %dma_start3A_18, %dma_start3A_19] : memref<32x106x96xi32, #tpu.memory_space<hbm>> -> memref<1x106x96xi32, #tpu.memory_space<hbm>>
    %dma_start3A_21 = tpu.memref_squeeze %dma_start3A_20 : memref<1x106x96xi32, #tpu.memory_space<hbm>> -> memref<106x96xi32, #tpu.memory_space<hbm>>
    tpu.enqueue_dma source(%dma_start3A_21 : memref<106x96xi32, #tpu.memory_space<hbm>>) target(%arg9 : memref<106x96xi32, #tpu.memory_space<vmem>>) target_semaphore(%arg13 : memref<!tpu.dma_semaphore, #tpu.memory_space<semaphore_mem>>)
    %dma_wait3A = arith.constant 0 : i32
    %dma_wait3A_22 = tpu.memref_slice %arg11[%mul3A_2, %dma_wait3A] : memref<10240x8xf32, #tpu.memory_space<vmem_shared>> -> memref<640x8xf32, #tpu.memory_space<vmem_shared>>
    tpu.wait_dma2 semaphore(%arg13 : memref<!tpu.dma_semaphore, #tpu.memory_space<semaphore_mem>>) src(%arg5 : memref<640x8xf32, #tpu.memory_space<hbm>>) dst(%dma_wait3A_22 : memref<640x8xf32, #tpu.memory_space<vmem_shared>>)
    %dma_wait3A_23 = arith.constant 0 : i32
    %dma_wait3A_24 = tpu.memref_slice %arg12[%mul3A_2, %dma_wait3A_23] : memref<10240x8xf32, #tpu.memory_space<vmem_shared>> -> memref<640x8xf32, #tpu.memory_space<vmem_shared>>
    tpu.wait_dma2 semaphore(%arg13 : memref<!tpu.dma_semaphore, #tpu.memory_space<semaphore_mem>>) src(%arg5 : memref<640x8xf32, #tpu.memory_space<hbm>>) dst(%dma_wait3A_24 : memref<640x8xf32, #tpu.memory_space<vmem_shared>>)
    tpu.wait_dma2 semaphore(%arg13 : memref<!tpu.dma_semaphore, #tpu.memory_space<semaphore_mem>>) src(%arg4 : memref<96x8xf32, #tpu.memory_space<hbm>>) dst(%arg10 : memref<96x8xf32, #tpu.memory_space<vmem>>)
    %dma_wait3A_25 = arith.constant 0 : i32
    %dma_wait3A_26 = arith.constant 0 : i32
    %dma_wait3A_27 = tpu.memref_slice %arg2[%add3A, %dma_wait3A_25, %dma_wait3A_26] : memref<32x106x96xi32, #tpu.memory_space<hbm>> -> memref<1x106x96xi32, #tpu.memory_space<hbm>>
    %dma_wait3A_28 = tpu.memref_squeeze %dma_wait3A_27 : memref<1x106x96xi32, #tpu.memory_space<hbm>> -> memref<106x96xi32, #tpu.memory_space<hbm>>
    %dma_wait3A_29 = arith.constant 0 : i32
    %dma_wait3A_30 = arith.constant 0 : i32
    %dma_wait3A_31 = tpu.memref_slice %arg2[%add3A, %dma_wait3A_29, %dma_wait3A_30] : memref<32x106x96xi32, #tpu.memory_space<hbm>> -> memref<1x106x96xi32, #tpu.memory_space<hbm>>
    %dma_wait3A_32 = tpu.memref_squeeze %dma_wait3A_31 : memref<1x106x96xi32, #tpu.memory_space<hbm>> -> memref<106x96xi32, #tpu.memory_space<hbm>>
    tpu.wait_dma2 semaphore(%arg13 : memref<!tpu.dma_semaphore, #tpu.memory_space<semaphore_mem>>) src(%dma_wait3A_32 : memref<106x96xi32, #tpu.memory_space<hbm>>) dst(%arg8 : memref<106x96xi32, #tpu.memory_space<vmem>>)
    %dma_wait3A_33 = arith.constant 0 : i32
    %dma_wait3A_34 = arith.constant 0 : i32
    %dma_wait3A_35 = tpu.memref_slice %arg3[%add3A, %dma_wait3A_33, %dma_wait3A_34] : memref<32x106x96xi32, #tpu.memory_space<hbm>> -> memref<1x106x96xi32, #tpu.memory_space<hbm>>
    %dma_wait3A_36 = tpu.memref_squeeze %dma_wait3A_35 : memref<1x106x96xi32, #tpu.memory_space<hbm>> -> memref<106x96xi32, #tpu.memory_space<hbm>>
    %dma_wait3A_37 = arith.constant 0 : i32
    %dma_wait3A_38 = arith.constant 0 : i32
    %dma_wait3A_39 = tpu.memref_slice %arg3[%add3A, %dma_wait3A_37, %dma_wait3A_38] : memref<32x106x96xi32, #tpu.memory_space<hbm>> -> memref<1x106x96xi32, #tpu.memory_space<hbm>>
    %dma_wait3A_40 = tpu.memref_squeeze %dma_wait3A_39 : memref<1x106x96xi32, #tpu.memory_space<hbm>> -> memref<106x96xi32, #tpu.memory_space<hbm>>
    tpu.wait_dma2 semaphore(%arg13 : memref<!tpu.dma_semaphore, #tpu.memory_space<semaphore_mem>>) src(%dma_wait3A_40 : memref<106x96xi32, #tpu.memory_space<hbm>>) dst(%arg9 : memref<106x96xi32, #tpu.memory_space<vmem>>)
    %barrier3A = arith.constant 0 : index
    tpu.barrier barrier_id(%barrier3A)
    %scan3A = arith.constant 0 : i32
    %scan3A_41 = arith.constant 106 : i32
    %scan3A_42 = arith.addi %scan3A, %scan3A_41 : i32
    %scan3A_43 = arith.constant 1 : i32
    scf.for %scan3A_60 = %scan3A to %scan3A_42 step %scan3A_43  : i32 {
      %mul3A_61 = arith.constant 1 : i32
      %mul3A_62 = arith.muli %scan3A_60, %mul3A_61 : i32
      %add3A_63 = arith.constant 0 : i32
      %add3A_64 = arith.addi %add3A_63, %mul3A_62 : i32
      %dma_start3A_65 = arith.constant 0 : i32
      %dma_start3A_66 = tpu.memref_slice %arg8[%add3A_64, %dma_start3A_65] : memref<106x96xi32, #tpu.memory_space<vmem>> -> memref<1x96xi32, #tpu.memory_space<vmem>>
      %dma_start3A_67 = tpu.memref_squeeze %dma_start3A_66 : memref<1x96xi32, #tpu.memory_space<vmem>> -> memref<96xi32, #tpu.memory_space<vmem>>
      %dma_start3A_68 = arith.constant 0 : i32
      %dma_start3A_69 = arith.constant 0 : i32
      %dma_start3A_70 = tpu.memref_slice %arg11[%dma_start3A_68, %dma_start3A_69] : memref<10240x8xf32, #tpu.memory_space<vmem_shared>> -> memref<10240x8xf32, #tpu.memory_space<vmem_shared>>
      tpu.enqueue_indirect_dma source(%arg10 : memref<96x8xf32, #tpu.memory_space<vmem>>) target(%dma_start3A_70 : memref<10240x8xf32, #tpu.memory_space<vmem_shared>>) offsets(%dma_start3A_67 : memref<96xi32, #tpu.memory_space<vmem>>) semaphore(%arg14 : memref<!tpu.dma_semaphore, #tpu.memory_space<semaphore_mem>>) {add = true}
      %dma_start3A_71 = arith.constant 0 : i32
      %dma_start3A_72 = tpu.memref_slice %arg9[%add3A_64, %dma_start3A_71] : memref<106x96xi32, #tpu.memory_space<vmem>> -> memref<1x96xi32, #tpu.memory_space<vmem>>
      %dma_start3A_73 = tpu.memref_squeeze %dma_start3A_72 : memref<1x96xi32, #tpu.memory_space<vmem>> -> memref<96xi32, #tpu.memory_space<vmem>>
      %dma_start3A_74 = arith.constant 0 : i32
      %dma_start3A_75 = arith.constant 0 : i32
      %dma_start3A_76 = tpu.memref_slice %arg12[%dma_start3A_74, %dma_start3A_75] : memref<10240x8xf32, #tpu.memory_space<vmem_shared>> -> memref<10240x8xf32, #tpu.memory_space<vmem_shared>>
      tpu.enqueue_indirect_dma source(%arg10 : memref<96x8xf32, #tpu.memory_space<vmem>>) target(%dma_start3A_76 : memref<10240x8xf32, #tpu.memory_space<vmem_shared>>) offsets(%dma_start3A_73 : memref<96xi32, #tpu.memory_space<vmem>>) semaphore(%arg15 : memref<!tpu.dma_semaphore, #tpu.memory_space<semaphore_mem>>) {add = true}
      %ge3A = arith.constant 1 : i32
      %ge3A_77 = arith.cmpi sge, %add3A_64, %ge3A : i32
      %convert_element_type3A = arith.extui %ge3A_77 : i1 to i32
      %cond3A = arith.constant 0 : i32
      %cond3A_78 = arith.cmpi ne, %convert_element_type3A, %cond3A : i32
      scf.if %cond3A_78 {
        %sub3A = arith.constant 1 : i32
        %sub3A_79 = arith.subi %add3A_64, %sub3A : i32
        %dma_wait3A_80 = arith.constant 0 : i32
        %dma_wait3A_81 = tpu.memref_slice %arg8[%sub3A_79, %dma_wait3A_80] : memref<106x96xi32, #tpu.memory_space<vmem>> -> memref<1x96xi32, #tpu.memory_space<vmem>>
        %dma_wait3A_82 = tpu.memref_squeeze %dma_wait3A_81 : memref<1x96xi32, #tpu.memory_space<vmem>> -> memref<96xi32, #tpu.memory_space<vmem>>
        %dma_wait3A_83 = arith.constant 0 : i32
        %dma_wait3A_84 = arith.constant 0 : i32
        %dma_wait3A_85 = tpu.memref_slice %arg11[%dma_wait3A_83, %dma_wait3A_84] : memref<10240x8xf32, #tpu.memory_space<vmem_shared>> -> memref<10240x8xf32, #tpu.memory_space<vmem_shared>>
        tpu.wait_indirect_dma semaphore(%arg14 : memref<!tpu.dma_semaphore, #tpu.memory_space<semaphore_mem>>) src(%arg10 : memref<96x8xf32, #tpu.memory_space<vmem>>) dst(%dma_wait3A_85 : memref<10240x8xf32, #tpu.memory_space<vmem_shared>>)
        %sub3A_86 = arith.constant 1 : i32
        %sub3A_87 = arith.subi %add3A_64, %sub3A_86 : i32
        %dma_wait3A_88 = arith.constant 0 : i32
        %dma_wait3A_89 = tpu.memref_slice %arg9[%sub3A_87, %dma_wait3A_88] : memref<106x96xi32, #tpu.memory_space<vmem>> -> memref<1x96xi32, #tpu.memory_space<vmem>>
        %dma_wait3A_90 = tpu.memref_squeeze %dma_wait3A_89 : memref<1x96xi32, #tpu.memory_space<vmem>> -> memref<96xi32, #tpu.memory_space<vmem>>
        %dma_wait3A_91 = arith.constant 0 : i32
        %dma_wait3A_92 = arith.constant 0 : i32
        %dma_wait3A_93 = tpu.memref_slice %arg12[%dma_wait3A_91, %dma_wait3A_92] : memref<10240x8xf32, #tpu.memory_space<vmem_shared>> -> memref<10240x8xf32, #tpu.memory_space<vmem_shared>>
        tpu.wait_indirect_dma semaphore(%arg15 : memref<!tpu.dma_semaphore, #tpu.memory_space<semaphore_mem>>) src(%arg10 : memref<96x8xf32, #tpu.memory_space<vmem>>) dst(%dma_wait3A_93 : memref<10240x8xf32, #tpu.memory_space<vmem_shared>>)
      } else {
      }
    }
    %scan3A_44 = arith.constant 106 : i32
    %dma_wait3A_45 = arith.constant 105 : i32
    %dma_wait3A_46 = arith.constant 0 : i32
    %dma_wait3A_47 = tpu.memref_slice %arg8[%dma_wait3A_45, %dma_wait3A_46] : memref<106x96xi32, #tpu.memory_space<vmem>> -> memref<1x96xi32, #tpu.memory_space<vmem>>
    %dma_wait3A_48 = tpu.memref_squeeze %dma_wait3A_47 : memref<1x96xi32, #tpu.memory_space<vmem>> -> memref<96xi32, #tpu.memory_space<vmem>>
    %dma_wait3A_49 = arith.constant 0 : i32
    %dma_wait3A_50 = arith.constant 0 : i32
    %dma_wait3A_51 = tpu.memref_slice %arg11[%dma_wait3A_49, %dma_wait3A_50] : memref<10240x8xf32, #tpu.memory_space<vmem_shared>> -> memref<10240x8xf32, #tpu.memory_space<vmem_shared>>
    tpu.wait_indirect_dma semaphore(%arg14 : memref<!tpu.dma_semaphore, #tpu.memory_space<semaphore_mem>>) src(%arg10 : memref<96x8xf32, #tpu.memory_space<vmem>>) dst(%dma_wait3A_51 : memref<10240x8xf32, #tpu.memory_space<vmem_shared>>)
    %dma_wait3A_52 = arith.constant 105 : i32
    %dma_wait3A_53 = arith.constant 0 : i32
    %dma_wait3A_54 = tpu.memref_slice %arg9[%dma_wait3A_52, %dma_wait3A_53] : memref<106x96xi32, #tpu.memory_space<vmem>> -> memref<1x96xi32, #tpu.memory_space<vmem>>
    %dma_wait3A_55 = tpu.memref_squeeze %dma_wait3A_54 : memref<1x96xi32, #tpu.memory_space<vmem>> -> memref<96xi32, #tpu.memory_space<vmem>>
    %dma_wait3A_56 = arith.constant 0 : i32
    %dma_wait3A_57 = arith.constant 0 : i32
    %dma_wait3A_58 = tpu.memref_slice %arg12[%dma_wait3A_56, %dma_wait3A_57] : memref<10240x8xf32, #tpu.memory_space<vmem_shared>> -> memref<10240x8xf32, #tpu.memory_space<vmem_shared>>
    tpu.wait_indirect_dma semaphore(%arg15 : memref<!tpu.dma_semaphore, #tpu.memory_space<semaphore_mem>>) src(%arg10 : memref<96x8xf32, #tpu.memory_space<vmem>>) dst(%dma_wait3A_58 : memref<10240x8xf32, #tpu.memory_space<vmem_shared>>)
    %barrier3A_59 = arith.constant 0 : index
    tpu.barrier barrier_id(%barrier3A_59)
    "tpu.region"() ({
      %run_scoped3A = tpu.sem_alloc : memref<!tpu.dma_semaphore, #tpu.memory_space<semaphore_mem>>
      %dma_start3A_60 = arith.constant 0 : i32
      %dma_start3A_61 = tpu.memref_slice %arg6[%arg0, %mul3A_2, %dma_start3A_60] : memref<2x10240x8xf32, #tpu.memory_space<hbm>> -> memref<1x640x8xf32, #tpu.memory_space<hbm>>
      %dma_start3A_62 = tpu.memref_squeeze %dma_start3A_61 : memref<1x640x8xf32, #tpu.memory_space<hbm>> -> memref<640x8xf32, #tpu.memory_space<hbm>>
      %dma_start3A_63 = arith.constant 0 : i32
      %dma_start3A_64 = tpu.memref_slice %arg11[%mul3A_2, %dma_start3A_63] : memref<10240x8xf32, #tpu.memory_space<vmem_shared>> -> memref<640x8xf32, #tpu.memory_space<vmem_shared>>
      tpu.enqueue_dma source(%dma_start3A_64 : memref<640x8xf32, #tpu.memory_space<vmem_shared>>) target(%dma_start3A_62 : memref<640x8xf32, #tpu.memory_space<hbm>>) target_semaphore(%run_scoped3A : memref<!tpu.dma_semaphore, #tpu.memory_space<semaphore_mem>>)
      %dma_wait3A_65 = arith.constant 0 : i32
      %dma_wait3A_66 = tpu.memref_slice %arg6[%arg0, %mul3A_2, %dma_wait3A_65] : memref<2x10240x8xf32, #tpu.memory_space<hbm>> -> memref<1x640x8xf32, #tpu.memory_space<hbm>>
      %dma_wait3A_67 = tpu.memref_squeeze %dma_wait3A_66 : memref<1x640x8xf32, #tpu.memory_space<hbm>> -> memref<640x8xf32, #tpu.memory_space<hbm>>
      %dma_wait3A_68 = arith.constant 0 : i32
      %dma_wait3A_69 = tpu.memref_slice %arg11[%mul3A_2, %dma_wait3A_68] : memref<10240x8xf32, #tpu.memory_space<vmem_shared>> -> memref<640x8xf32, #tpu.memory_space<vmem_shared>>
      tpu.wait_dma2 semaphore(%run_scoped3A : memref<!tpu.dma_semaphore, #tpu.memory_space<semaphore_mem>>) src(%dma_wait3A_69 : memref<640x8xf32, #tpu.memory_space<vmem_shared>>) dst(%dma_wait3A_67 : memref<640x8xf32, #tpu.memory_space<hbm>>)
      tpu.yield
    }) : () -> ()
    "tpu.region"() ({
      %run_scoped3A = tpu.sem_alloc : memref<!tpu.dma_semaphore, #tpu.memory_space<semaphore_mem>>
      %dma_start3A_60 = arith.constant 0 : i32
      %dma_start3A_61 = tpu.memref_slice %arg7[%arg0, %mul3A_2, %dma_start3A_60] : memref<2x10240x8xf32, #tpu.memory_space<hbm>> -> memref<1x640x8xf32, #tpu.memory_space<hbm>>
      %dma_start3A_62 = tpu.memref_squeeze %dma_start3A_61 : memref<1x640x8xf32, #tpu.memory_space<hbm>> -> memref<640x8xf32, #tpu.memory_space<hbm>>
      %dma_start3A_63 = arith.constant 0 : i32
      %dma_start3A_64 = tpu.memref_slice %arg12[%mul3A_2, %dma_start3A_63] : memref<10240x8xf32, #tpu.memory_space<vmem_shared>> -> memref<640x8xf32, #tpu.memory_space<vmem_shared>>
      tpu.enqueue_dma source(%dma_start3A_64 : memref<640x8xf32, #tpu.memory_space<vmem_shared>>) target(%dma_start3A_62 : memref<640x8xf32, #tpu.memory_space<hbm>>) target_semaphore(%run_scoped3A : memref<!tpu.dma_semaphore, #tpu.memory_space<semaphore_mem>>)
      %dma_wait3A_65 = arith.constant 0 : i32
      %dma_wait3A_66 = tpu.memref_slice %arg7[%arg0, %mul3A_2, %dma_wait3A_65] : memref<2x10240x8xf32, #tpu.memory_space<hbm>> -> memref<1x640x8xf32, #tpu.memory_space<hbm>>
      %dma_wait3A_67 = tpu.memref_squeeze %dma_wait3A_66 : memref<1x640x8xf32, #tpu.memory_space<hbm>> -> memref<640x8xf32, #tpu.memory_space<hbm>>
      %dma_wait3A_68 = arith.constant 0 : i32
      %dma_wait3A_69 = tpu.memref_slice %arg12[%mul3A_2, %dma_wait3A_68] : memref<10240x8xf32, #tpu.memory_space<vmem_shared>> -> memref<640x8xf32, #tpu.memory_space<vmem_shared>>
      tpu.wait_dma2 semaphore(%run_scoped3A : memref<!tpu.dma_semaphore, #tpu.memory_space<semaphore_mem>>) src(%dma_wait3A_69 : memref<640x8xf32, #tpu.memory_space<vmem_shared>>) dst(%dma_wait3A_67 : memref<640x8xf32, #tpu.memory_space<hbm>>)
      tpu.yield
    }) : () -> ()
    return
  }
}

#map = affine_map<(d0, d1) -> (0, 0)>
#map1 = affine_map<(d0, d1) -> (0, 0, 0)>
module attributes {stable_mosaic.version = 14 : i64} {
  func.func @_propagate(%arg0: i32, %arg1: i32, %arg2: memref<10240x64xf32, #tpu.memory_space<hbm>>, %arg3: memref<32x106x96xi32, #tpu.memory_space<hbm>>, %arg4: memref<32x106x96xi32, #tpu.memory_space<hbm>>, %arg5: memref<640x64xf32, #tpu.memory_space<hbm>>, %arg6: memref<2x10240x64xf32, #tpu.memory_space<hbm>>, %arg7: memref<106x96xi32, #tpu.memory_space<vmem>>, %arg8: memref<106x96xi32, #tpu.memory_space<vmem>>, %arg9: memref<96x64xf32, #tpu.memory_space<vmem>>, %arg10: memref<96x64xf32, #tpu.memory_space<vmem>>, %arg11: memref<10240x64xf32, #tpu.memory_space<vmem_shared>>, %arg12: memref<!tpu.dma_semaphore, #tpu.memory_space<semaphore_mem>>, %arg13: memref<!tpu.dma_semaphore, #tpu.memory_space<semaphore_mem>>, %arg14: memref<!tpu.dma_semaphore, #tpu.memory_space<semaphore_mem>>) attributes {dimension_semantics = [#tpu.dimension_semantics<core_parallel>, #tpu.dimension_semantics<subcore_parallel>], iteration_bounds = array<i64: 2, 16>, scalar_prefetch = 0 : i64, scratch_operands = 8 : i64, tpu.core_type = #tpu.core_type<sc_vector_subcore>, window_params = [{transform_indices = #map}, {transform_indices = #map1}, {transform_indices = #map1}, {transform_indices = #map}, {transform_indices = #map1}]} {
    %mul3A = arith.constant 16 : i32
    %mul3A_0 = arith.muli %arg0, %mul3A : i32
    %add3A = arith.addi %mul3A_0, %arg1 : i32
    %mul3A_1 = arith.constant 640 : i32
    %mul3A_2 = arith.muli %arg1, %mul3A_1 : i32
    %dma_start3A = arith.constant 0 : i32
    %dma_start3A_3 = tpu.memref_slice %arg11[%mul3A_2, %dma_start3A] : memref<10240x64xf32, #tpu.memory_space<vmem_shared>> -> memref<640x64xf32, #tpu.memory_space<vmem_shared>>
    tpu.enqueue_dma source(%arg5 : memref<640x64xf32, #tpu.memory_space<hbm>>) target(%dma_start3A_3 : memref<640x64xf32, #tpu.memory_space<vmem_shared>>) target_semaphore(%arg14 : memref<!tpu.dma_semaphore, #tpu.memory_space<semaphore_mem>>)
    %dma_start3A_4 = arith.constant 0 : i32
    %dma_start3A_5 = arith.constant 0 : i32
    %dma_start3A_6 = tpu.memref_slice %arg3[%add3A, %dma_start3A_4, %dma_start3A_5] : memref<32x106x96xi32, #tpu.memory_space<hbm>> -> memref<1x106x96xi32, #tpu.memory_space<hbm>>
    %dma_start3A_7 = tpu.memref_squeeze %dma_start3A_6 : memref<1x106x96xi32, #tpu.memory_space<hbm>> -> memref<106x96xi32, #tpu.memory_space<hbm>>
    %dma_start3A_8 = arith.constant 0 : i32
    %dma_start3A_9 = arith.constant 0 : i32
    %dma_start3A_10 = tpu.memref_slice %arg3[%add3A, %dma_start3A_8, %dma_start3A_9] : memref<32x106x96xi32, #tpu.memory_space<hbm>> -> memref<1x106x96xi32, #tpu.memory_space<hbm>>
    %dma_start3A_11 = tpu.memref_squeeze %dma_start3A_10 : memref<1x106x96xi32, #tpu.memory_space<hbm>> -> memref<106x96xi32, #tpu.memory_space<hbm>>
    tpu.enqueue_dma source(%dma_start3A_11 : memref<106x96xi32, #tpu.memory_space<hbm>>) target(%arg7 : memref<106x96xi32, #tpu.memory_space<vmem>>) target_semaphore(%arg14 : memref<!tpu.dma_semaphore, #tpu.memory_space<semaphore_mem>>)
    %dma_start3A_12 = arith.constant 0 : i32
    %dma_start3A_13 = arith.constant 0 : i32
    %dma_start3A_14 = tpu.memref_slice %arg4[%add3A, %dma_start3A_12, %dma_start3A_13] : memref<32x106x96xi32, #tpu.memory_space<hbm>> -> memref<1x106x96xi32, #tpu.memory_space<hbm>>
    %dma_start3A_15 = tpu.memref_squeeze %dma_start3A_14 : memref<1x106x96xi32, #tpu.memory_space<hbm>> -> memref<106x96xi32, #tpu.memory_space<hbm>>
    %dma_start3A_16 = arith.constant 0 : i32
    %dma_start3A_17 = arith.constant 0 : i32
    %dma_start3A_18 = tpu.memref_slice %arg4[%add3A, %dma_start3A_16, %dma_start3A_17] : memref<32x106x96xi32, #tpu.memory_space<hbm>> -> memref<1x106x96xi32, #tpu.memory_space<hbm>>
    %dma_start3A_19 = tpu.memref_squeeze %dma_start3A_18 : memref<1x106x96xi32, #tpu.memory_space<hbm>> -> memref<106x96xi32, #tpu.memory_space<hbm>>
    tpu.enqueue_dma source(%dma_start3A_19 : memref<106x96xi32, #tpu.memory_space<hbm>>) target(%arg8 : memref<106x96xi32, #tpu.memory_space<vmem>>) target_semaphore(%arg14 : memref<!tpu.dma_semaphore, #tpu.memory_space<semaphore_mem>>)
    %dma_wait3A = arith.constant 0 : i32
    %dma_wait3A_20 = tpu.memref_slice %arg11[%mul3A_2, %dma_wait3A] : memref<10240x64xf32, #tpu.memory_space<vmem_shared>> -> memref<640x64xf32, #tpu.memory_space<vmem_shared>>
    tpu.wait_dma2 semaphore(%arg14 : memref<!tpu.dma_semaphore, #tpu.memory_space<semaphore_mem>>) src(%arg5 : memref<640x64xf32, #tpu.memory_space<hbm>>) dst(%dma_wait3A_20 : memref<640x64xf32, #tpu.memory_space<vmem_shared>>)
    %dma_wait3A_21 = arith.constant 0 : i32
    %dma_wait3A_22 = arith.constant 0 : i32
    %dma_wait3A_23 = tpu.memref_slice %arg3[%add3A, %dma_wait3A_21, %dma_wait3A_22] : memref<32x106x96xi32, #tpu.memory_space<hbm>> -> memref<1x106x96xi32, #tpu.memory_space<hbm>>
    %dma_wait3A_24 = tpu.memref_squeeze %dma_wait3A_23 : memref<1x106x96xi32, #tpu.memory_space<hbm>> -> memref<106x96xi32, #tpu.memory_space<hbm>>
    %dma_wait3A_25 = arith.constant 0 : i32
    %dma_wait3A_26 = arith.constant 0 : i32
    %dma_wait3A_27 = tpu.memref_slice %arg3[%add3A, %dma_wait3A_25, %dma_wait3A_26] : memref<32x106x96xi32, #tpu.memory_space<hbm>> -> memref<1x106x96xi32, #tpu.memory_space<hbm>>
    %dma_wait3A_28 = tpu.memref_squeeze %dma_wait3A_27 : memref<1x106x96xi32, #tpu.memory_space<hbm>> -> memref<106x96xi32, #tpu.memory_space<hbm>>
    tpu.wait_dma2 semaphore(%arg14 : memref<!tpu.dma_semaphore, #tpu.memory_space<semaphore_mem>>) src(%dma_wait3A_28 : memref<106x96xi32, #tpu.memory_space<hbm>>) dst(%arg7 : memref<106x96xi32, #tpu.memory_space<vmem>>)
    %dma_wait3A_29 = arith.constant 0 : i32
    %dma_wait3A_30 = arith.constant 0 : i32
    %dma_wait3A_31 = tpu.memref_slice %arg4[%add3A, %dma_wait3A_29, %dma_wait3A_30] : memref<32x106x96xi32, #tpu.memory_space<hbm>> -> memref<1x106x96xi32, #tpu.memory_space<hbm>>
    %dma_wait3A_32 = tpu.memref_squeeze %dma_wait3A_31 : memref<1x106x96xi32, #tpu.memory_space<hbm>> -> memref<106x96xi32, #tpu.memory_space<hbm>>
    %dma_wait3A_33 = arith.constant 0 : i32
    %dma_wait3A_34 = arith.constant 0 : i32
    %dma_wait3A_35 = tpu.memref_slice %arg4[%add3A, %dma_wait3A_33, %dma_wait3A_34] : memref<32x106x96xi32, #tpu.memory_space<hbm>> -> memref<1x106x96xi32, #tpu.memory_space<hbm>>
    %dma_wait3A_36 = tpu.memref_squeeze %dma_wait3A_35 : memref<1x106x96xi32, #tpu.memory_space<hbm>> -> memref<106x96xi32, #tpu.memory_space<hbm>>
    tpu.wait_dma2 semaphore(%arg14 : memref<!tpu.dma_semaphore, #tpu.memory_space<semaphore_mem>>) src(%dma_wait3A_36 : memref<106x96xi32, #tpu.memory_space<hbm>>) dst(%arg8 : memref<106x96xi32, #tpu.memory_space<vmem>>)
    %dma_start3A_37 = arith.constant 0 : i32
    %dma_start3A_38 = arith.constant 0 : i32
    %dma_start3A_39 = tpu.memref_slice %arg7[%dma_start3A_37, %dma_start3A_38] : memref<106x96xi32, #tpu.memory_space<vmem>> -> memref<1x96xi32, #tpu.memory_space<vmem>>
    %dma_start3A_40 = tpu.memref_squeeze %dma_start3A_39 : memref<1x96xi32, #tpu.memory_space<vmem>> -> memref<96xi32, #tpu.memory_space<vmem>>
    %dma_start3A_41 = arith.constant 0 : i32
    %dma_start3A_42 = arith.constant 0 : i32
    %dma_start3A_43 = tpu.memref_slice %arg2[%dma_start3A_41, %dma_start3A_42] : memref<10240x64xf32, #tpu.memory_space<hbm>> -> memref<10240x64xf32, #tpu.memory_space<hbm>>
    tpu.enqueue_indirect_dma source(%dma_start3A_43 : memref<10240x64xf32, #tpu.memory_space<hbm>>) target(%arg9 : memref<96x64xf32, #tpu.memory_space<vmem>>) offsets(%dma_start3A_40 : memref<96xi32, #tpu.memory_space<vmem>>) semaphore(%arg12 : memref<!tpu.dma_semaphore, #tpu.memory_space<semaphore_mem>>)
    %barrier3A = arith.constant 0 : index
    tpu.barrier barrier_id(%barrier3A)
    %scan3A = arith.constant 0 : i32
    %scan3A_44 = arith.constant 53 : i32
    %scan3A_45 = arith.addi %scan3A, %scan3A_44 : i32
    %scan3A_46 = arith.constant 1 : i32
    scf.for %scan3A_49 = %scan3A to %scan3A_45 step %scan3A_46  : i32 {
      %mul3A_50 = arith.constant 1 : i32
      %mul3A_51 = arith.muli %scan3A_49, %mul3A_50 : i32
      %add3A_52 = arith.constant 0 : i32
      %add3A_53 = arith.addi %add3A_52, %mul3A_51 : i32
      %mul3A_54 = arith.constant 2 : i32
      %mul3A_55 = arith.muli %mul3A_54, %add3A_53 : i32
      %dma_wait3A_56 = arith.constant 0 : i32
      %dma_wait3A_57 = tpu.memref_slice %arg7[%mul3A_55, %dma_wait3A_56] : memref<106x96xi32, #tpu.memory_space<vmem>> -> memref<1x96xi32, #tpu.memory_space<vmem>>
      %dma_wait3A_58 = tpu.memref_squeeze %dma_wait3A_57 : memref<1x96xi32, #tpu.memory_space<vmem>> -> memref<96xi32, #tpu.memory_space<vmem>>
      %dma_wait3A_59 = arith.constant 0 : i32
      %dma_wait3A_60 = arith.constant 0 : i32
      %dma_wait3A_61 = tpu.memref_slice %arg2[%dma_wait3A_59, %dma_wait3A_60] : memref<10240x64xf32, #tpu.memory_space<hbm>> -> memref<10240x64xf32, #tpu.memory_space<hbm>>
      tpu.wait_indirect_dma semaphore(%arg12 : memref<!tpu.dma_semaphore, #tpu.memory_space<semaphore_mem>>) src(%dma_wait3A_61 : memref<10240x64xf32, #tpu.memory_space<hbm>>) dst(%arg9 : memref<96x64xf32, #tpu.memory_space<vmem>>)
      %add3A_62 = arith.constant 1 : i32
      %add3A_63 = arith.addi %mul3A_55, %add3A_62 : i32
      %dma_start3A_64 = arith.constant 0 : i32
      %dma_start3A_65 = tpu.memref_slice %arg7[%add3A_63, %dma_start3A_64] : memref<106x96xi32, #tpu.memory_space<vmem>> -> memref<1x96xi32, #tpu.memory_space<vmem>>
      %dma_start3A_66 = tpu.memref_squeeze %dma_start3A_65 : memref<1x96xi32, #tpu.memory_space<vmem>> -> memref<96xi32, #tpu.memory_space<vmem>>
      %dma_start3A_67 = arith.constant 0 : i32
      %dma_start3A_68 = arith.constant 0 : i32
      %dma_start3A_69 = tpu.memref_slice %arg2[%dma_start3A_67, %dma_start3A_68] : memref<10240x64xf32, #tpu.memory_space<hbm>> -> memref<10240x64xf32, #tpu.memory_space<hbm>>
      tpu.enqueue_indirect_dma source(%dma_start3A_69 : memref<10240x64xf32, #tpu.memory_space<hbm>>) target(%arg10 : memref<96x64xf32, #tpu.memory_space<vmem>>) offsets(%dma_start3A_66 : memref<96xi32, #tpu.memory_space<vmem>>) semaphore(%arg13 : memref<!tpu.dma_semaphore, #tpu.memory_space<semaphore_mem>>)
      "tpu.region"() ({
        %run_scoped3A = tpu.sem_alloc : memref<!tpu.dma_semaphore, #tpu.memory_space<semaphore_mem>>
        %dma_start3A_84 = arith.constant 0 : i32
        %dma_start3A_85 = tpu.memref_slice %arg8[%mul3A_55, %dma_start3A_84] : memref<106x96xi32, #tpu.memory_space<vmem>> -> memref<1x96xi32, #tpu.memory_space<vmem>>
        %dma_start3A_86 = tpu.memref_squeeze %dma_start3A_85 : memref<1x96xi32, #tpu.memory_space<vmem>> -> memref<96xi32, #tpu.memory_space<vmem>>
        %dma_start3A_87 = arith.constant 0 : i32
        %dma_start3A_88 = arith.constant 0 : i32
        %dma_start3A_89 = tpu.memref_slice %arg11[%dma_start3A_87, %dma_start3A_88] : memref<10240x64xf32, #tpu.memory_space<vmem_shared>> -> memref<10240x64xf32, #tpu.memory_space<vmem_shared>>
        tpu.enqueue_indirect_dma source(%arg9 : memref<96x64xf32, #tpu.memory_space<vmem>>) target(%dma_start3A_89 : memref<10240x64xf32, #tpu.memory_space<vmem_shared>>) offsets(%dma_start3A_86 : memref<96xi32, #tpu.memory_space<vmem>>) semaphore(%run_scoped3A : memref<!tpu.dma_semaphore, #tpu.memory_space<semaphore_mem>>) {add = true}
        %dma_wait3A_90 = arith.constant 0 : i32
        %dma_wait3A_91 = tpu.memref_slice %arg8[%mul3A_55, %dma_wait3A_90] : memref<106x96xi32, #tpu.memory_space<vmem>> -> memref<1x96xi32, #tpu.memory_space<vmem>>
        %dma_wait3A_92 = tpu.memref_squeeze %dma_wait3A_91 : memref<1x96xi32, #tpu.memory_space<vmem>> -> memref<96xi32, #tpu.memory_space<vmem>>
        %dma_wait3A_93 = arith.constant 0 : i32
        %dma_wait3A_94 = arith.constant 0 : i32
        %dma_wait3A_95 = tpu.memref_slice %arg11[%dma_wait3A_93, %dma_wait3A_94] : memref<10240x64xf32, #tpu.memory_space<vmem_shared>> -> memref<10240x64xf32, #tpu.memory_space<vmem_shared>>
        tpu.wait_indirect_dma semaphore(%run_scoped3A : memref<!tpu.dma_semaphore, #tpu.memory_space<semaphore_mem>>) src(%arg9 : memref<96x64xf32, #tpu.memory_space<vmem>>) dst(%dma_wait3A_95 : memref<10240x64xf32, #tpu.memory_space<vmem_shared>>)
        tpu.yield
      }) : () -> ()
      %add3A_70 = arith.constant 1 : i32
      %add3A_71 = arith.addi %mul3A_55, %add3A_70 : i32
      %dma_wait3A_72 = arith.constant 0 : i32
      %dma_wait3A_73 = tpu.memref_slice %arg7[%add3A_71, %dma_wait3A_72] : memref<106x96xi32, #tpu.memory_space<vmem>> -> memref<1x96xi32, #tpu.memory_space<vmem>>
      %dma_wait3A_74 = tpu.memref_squeeze %dma_wait3A_73 : memref<1x96xi32, #tpu.memory_space<vmem>> -> memref<96xi32, #tpu.memory_space<vmem>>
      %dma_wait3A_75 = arith.constant 0 : i32
      %dma_wait3A_76 = arith.constant 0 : i32
      %dma_wait3A_77 = tpu.memref_slice %arg2[%dma_wait3A_75, %dma_wait3A_76] : memref<10240x64xf32, #tpu.memory_space<hbm>> -> memref<10240x64xf32, #tpu.memory_space<hbm>>
      tpu.wait_indirect_dma semaphore(%arg13 : memref<!tpu.dma_semaphore, #tpu.memory_space<semaphore_mem>>) src(%dma_wait3A_77 : memref<10240x64xf32, #tpu.memory_space<hbm>>) dst(%arg10 : memref<96x64xf32, #tpu.memory_space<vmem>>)
      %add3A_78 = arith.constant 2 : i32
      %add3A_79 = arith.addi %mul3A_55, %add3A_78 : i32
      %le3A = arith.constant 104 : i32
      %le3A_80 = arith.cmpi sle, %add3A_79, %le3A : i32
      %convert_element_type3A = arith.extui %le3A_80 : i1 to i32
      %cond3A = arith.constant 0 : i32
      %cond3A_81 = arith.cmpi ne, %convert_element_type3A, %cond3A : i32
      scf.if %cond3A_81 {
        %add3A_84 = arith.constant 2 : i32
        %add3A_85 = arith.addi %mul3A_55, %add3A_84 : i32
        %dma_start3A_86 = arith.constant 0 : i32
        %dma_start3A_87 = tpu.memref_slice %arg7[%add3A_85, %dma_start3A_86] : memref<106x96xi32, #tpu.memory_space<vmem>> -> memref<1x96xi32, #tpu.memory_space<vmem>>
        %dma_start3A_88 = tpu.memref_squeeze %dma_start3A_87 : memref<1x96xi32, #tpu.memory_space<vmem>> -> memref<96xi32, #tpu.memory_space<vmem>>
        %dma_start3A_89 = arith.constant 0 : i32
        %dma_start3A_90 = arith.constant 0 : i32
        %dma_start3A_91 = tpu.memref_slice %arg2[%dma_start3A_89, %dma_start3A_90] : memref<10240x64xf32, #tpu.memory_space<hbm>> -> memref<10240x64xf32, #tpu.memory_space<hbm>>
        tpu.enqueue_indirect_dma source(%dma_start3A_91 : memref<10240x64xf32, #tpu.memory_space<hbm>>) target(%arg9 : memref<96x64xf32, #tpu.memory_space<vmem>>) offsets(%dma_start3A_88 : memref<96xi32, #tpu.memory_space<vmem>>) semaphore(%arg12 : memref<!tpu.dma_semaphore, #tpu.memory_space<semaphore_mem>>)
      } else {
      }
      %add3A_82 = arith.constant 1 : i32
      %add3A_83 = arith.addi %mul3A_55, %add3A_82 : i32
      "tpu.region"() ({
        %run_scoped3A = tpu.sem_alloc : memref<!tpu.dma_semaphore, #tpu.memory_space<semaphore_mem>>
        %dma_start3A_84 = arith.constant 0 : i32
        %dma_start3A_85 = tpu.memref_slice %arg8[%add3A_83, %dma_start3A_84] : memref<106x96xi32, #tpu.memory_space<vmem>> -> memref<1x96xi32, #tpu.memory_space<vmem>>
        %dma_start3A_86 = tpu.memref_squeeze %dma_start3A_85 : memref<1x96xi32, #tpu.memory_space<vmem>> -> memref<96xi32, #tpu.memory_space<vmem>>
        %dma_start3A_87 = arith.constant 0 : i32
        %dma_start3A_88 = arith.constant 0 : i32
        %dma_start3A_89 = tpu.memref_slice %arg11[%dma_start3A_87, %dma_start3A_88] : memref<10240x64xf32, #tpu.memory_space<vmem_shared>> -> memref<10240x64xf32, #tpu.memory_space<vmem_shared>>
        tpu.enqueue_indirect_dma source(%arg10 : memref<96x64xf32, #tpu.memory_space<vmem>>) target(%dma_start3A_89 : memref<10240x64xf32, #tpu.memory_space<vmem_shared>>) offsets(%dma_start3A_86 : memref<96xi32, #tpu.memory_space<vmem>>) semaphore(%run_scoped3A : memref<!tpu.dma_semaphore, #tpu.memory_space<semaphore_mem>>) {add = true}
        %dma_wait3A_90 = arith.constant 0 : i32
        %dma_wait3A_91 = tpu.memref_slice %arg8[%add3A_83, %dma_wait3A_90] : memref<106x96xi32, #tpu.memory_space<vmem>> -> memref<1x96xi32, #tpu.memory_space<vmem>>
        %dma_wait3A_92 = tpu.memref_squeeze %dma_wait3A_91 : memref<1x96xi32, #tpu.memory_space<vmem>> -> memref<96xi32, #tpu.memory_space<vmem>>
        %dma_wait3A_93 = arith.constant 0 : i32
        %dma_wait3A_94 = arith.constant 0 : i32
        %dma_wait3A_95 = tpu.memref_slice %arg11[%dma_wait3A_93, %dma_wait3A_94] : memref<10240x64xf32, #tpu.memory_space<vmem_shared>> -> memref<10240x64xf32, #tpu.memory_space<vmem_shared>>
        tpu.wait_indirect_dma semaphore(%run_scoped3A : memref<!tpu.dma_semaphore, #tpu.memory_space<semaphore_mem>>) src(%arg10 : memref<96x64xf32, #tpu.memory_space<vmem>>) dst(%dma_wait3A_95 : memref<10240x64xf32, #tpu.memory_space<vmem_shared>>)
        tpu.yield
      }) : () -> ()
    }
    %scan3A_47 = arith.constant 53 : i32
    %barrier3A_48 = arith.constant 0 : index
    tpu.barrier barrier_id(%barrier3A_48)
    "tpu.region"() ({
      %run_scoped3A = tpu.sem_alloc : memref<!tpu.dma_semaphore, #tpu.memory_space<semaphore_mem>>
      %dma_start3A_49 = arith.constant 0 : i32
      %dma_start3A_50 = tpu.memref_slice %arg6[%arg0, %mul3A_2, %dma_start3A_49] : memref<2x10240x64xf32, #tpu.memory_space<hbm>> -> memref<1x640x64xf32, #tpu.memory_space<hbm>>
      %dma_start3A_51 = tpu.memref_squeeze %dma_start3A_50 : memref<1x640x64xf32, #tpu.memory_space<hbm>> -> memref<640x64xf32, #tpu.memory_space<hbm>>
      %dma_start3A_52 = arith.constant 0 : i32
      %dma_start3A_53 = tpu.memref_slice %arg11[%mul3A_2, %dma_start3A_52] : memref<10240x64xf32, #tpu.memory_space<vmem_shared>> -> memref<640x64xf32, #tpu.memory_space<vmem_shared>>
      tpu.enqueue_dma source(%dma_start3A_53 : memref<640x64xf32, #tpu.memory_space<vmem_shared>>) target(%dma_start3A_51 : memref<640x64xf32, #tpu.memory_space<hbm>>) target_semaphore(%run_scoped3A : memref<!tpu.dma_semaphore, #tpu.memory_space<semaphore_mem>>)
      %dma_wait3A_54 = arith.constant 0 : i32
      %dma_wait3A_55 = tpu.memref_slice %arg6[%arg0, %mul3A_2, %dma_wait3A_54] : memref<2x10240x64xf32, #tpu.memory_space<hbm>> -> memref<1x640x64xf32, #tpu.memory_space<hbm>>
      %dma_wait3A_56 = tpu.memref_squeeze %dma_wait3A_55 : memref<1x640x64xf32, #tpu.memory_space<hbm>> -> memref<640x64xf32, #tpu.memory_space<hbm>>
      %dma_wait3A_57 = arith.constant 0 : i32
      %dma_wait3A_58 = tpu.memref_slice %arg11[%mul3A_2, %dma_wait3A_57] : memref<10240x64xf32, #tpu.memory_space<vmem_shared>> -> memref<640x64xf32, #tpu.memory_space<vmem_shared>>
      tpu.wait_dma2 semaphore(%run_scoped3A : memref<!tpu.dma_semaphore, #tpu.memory_space<semaphore_mem>>) src(%dma_wait3A_58 : memref<640x64xf32, #tpu.memory_space<vmem_shared>>) dst(%dma_wait3A_56 : memref<640x64xf32, #tpu.memory_space<hbm>>)
      tpu.yield
    }) : () -> ()
    return
  }
}

module attributes {stable_mosaic.version = 14 : i64} {
  func.func @_norms_body(%arg0: i32, %arg1: memref<1280x128xf32, #tpu.memory_space<vmem>>, %arg2: memref<2x1280x8xf32, #tpu.memory_space<vmem>>, %arg3: memref<2x1280x8xf32, #tpu.memory_space<vmem>>, %arg4: memref<1280x128xf32, #tpu.memory_space<vmem>>, %arg5: memref<1280x1xf32, #tpu.memory_space<vmem>>, %arg6: memref<1280x1xf32, #tpu.memory_space<vmem>>) attributes {dimension_semantics = [#tpu.dimension_semantics<arbitrary>], iteration_bounds = array<i64: 8>, scalar_prefetch = 0 : i64, scratch_operands = 0 : i64, tpu.core_type = #tpu.core_type<tc>, window_params = [{transform_indices = @transform_0, window_bounds = array<i64: 1280, 128>}, {transform_indices = @transform_1, window_bounds = array<i64: 2, 1280, 8>}, {transform_indices = @transform_2, window_bounds = array<i64: 2, 1280, 8>}, {transform_indices = @transform_3, window_bounds = array<i64: 1280, 128>}, {transform_indices = @transform_4, window_bounds = array<i64: 1280, 1>}, {transform_indices = @transform_5, window_bounds = array<i64: 1280, 1>}]} {
    %get3A = arith.constant 0 : index
    %get3A_0 = arith.constant 0 : index
    %get3A_1 = arith.constant 0 : index
    %get3A_2 = vector.load %arg2[%get3A, %get3A_0, %get3A_1] : memref<2x1280x8xf32, #tpu.memory_space<vmem>>, vector<1x1280x8xf32>
    %get3A_3 = vector.shape_cast %get3A_2 : vector<1x1280x8xf32> to vector<1280x8xf32>
    %get3A_4 = arith.constant 1 : index
    %get3A_5 = arith.constant 0 : index
    %get3A_6 = arith.constant 0 : index
    %get3A_7 = vector.load %arg2[%get3A_4, %get3A_5, %get3A_6] : memref<2x1280x8xf32, #tpu.memory_space<vmem>>, vector<1x1280x8xf32>
    %get3A_8 = vector.shape_cast %get3A_7 : vector<1x1280x8xf32> to vector<1280x8xf32>
    %add3A = arith.addf %get3A_3, %get3A_8 : vector<1280x8xf32>
    %slice3A = vector.extract_strided_slice %add3A {offsets = [0, 0], sizes = [1280, 1], strides = [1, 1]} : vector<1280x8xf32> to vector<1280x1xf32>
    %get3A_9 = arith.constant 0 : index
    %get3A_10 = arith.constant 0 : index
    %get3A_11 = arith.constant 0 : index
    %get3A_12 = vector.load %arg3[%get3A_9, %get3A_10, %get3A_11] : memref<2x1280x8xf32, #tpu.memory_space<vmem>>, vector<1x1280x8xf32>
    %get3A_13 = vector.shape_cast %get3A_12 : vector<1x1280x8xf32> to vector<1280x8xf32>
    %get3A_14 = arith.constant 1 : index
    %get3A_15 = arith.constant 0 : index
    %get3A_16 = arith.constant 0 : index
    %get3A_17 = vector.load %arg3[%get3A_14, %get3A_15, %get3A_16] : memref<2x1280x8xf32, #tpu.memory_space<vmem>>, vector<1x1280x8xf32>
    %get3A_18 = vector.shape_cast %get3A_17 : vector<1x1280x8xf32> to vector<1280x8xf32>
    %add3A_19 = arith.addf %get3A_13, %get3A_18 : vector<1280x8xf32>
    %slice3A_20 = vector.extract_strided_slice %add3A_19 {offsets = [0, 0], sizes = [1280, 1], strides = [1, 1]} : vector<1280x8xf32> to vector<1280x1xf32>
    %gt3A = arith.constant 0.000000e+00 : f32
    %gt3A_21 = vector.broadcast %gt3A : f32 to vector<1280x1xf32>
    %gt3A_22 = arith.cmpf ogt, %slice3A, %gt3A_21 : vector<1280x1xf32>
    %max3A = arith.constant 1.000000e+00 : f32
    %max3A_23 = vector.broadcast %max3A : f32 to vector<1280x1xf32>
    %max3A_24 = arith.maximumf %slice3A, %max3A_23 : vector<1280x1xf32>
    %rsqrt3A = math.rsqrt %max3A_24 : vector<1280x1xf32>
    %jit3A = arith.constant 0.000000e+00 : f32
    %broadcast_in_dim3A = vector.broadcast %jit3A : f32 to vector<1280x1xf32>
    %select_n3A = arith.select %gt3A_22, %rsqrt3A, %broadcast_in_dim3A : vector<1280x1xi1>, vector<1280x1xf32>
    %gt3A_25 = arith.constant 0.000000e+00 : f32
    %gt3A_26 = vector.broadcast %gt3A_25 : f32 to vector<1280x1xf32>
    %gt3A_27 = arith.cmpf ogt, %slice3A_20, %gt3A_26 : vector<1280x1xf32>
    %max3A_28 = arith.constant 1.000000e+00 : f32
    %max3A_29 = vector.broadcast %max3A_28 : f32 to vector<1280x1xf32>
    %max3A_30 = arith.maximumf %slice3A_20, %max3A_29 : vector<1280x1xf32>
    %rsqrt3A_31 = math.rsqrt %max3A_30 : vector<1280x1xf32>
    %jit3A_32 = arith.constant 0.000000e+00 : f32
    %broadcast_in_dim3A_33 = vector.broadcast %jit3A_32 : f32 to vector<1280x1xf32>
    %select_n3A_34 = arith.select %gt3A_27, %rsqrt3A_31, %broadcast_in_dim3A_33 : vector<1280x1xi1>, vector<1280x1xf32>
    %swap3A = arith.constant 0 : index
    %swap3A_35 = arith.constant 0 : index
    %swap3A_36 = vector.load %arg5[%swap3A, %swap3A_35] : memref<1280x1xf32, #tpu.memory_space<vmem>>, vector<1280x1xf32>
    tpu.vector_store %arg5[%swap3A, %swap3A_35], %select_n3A {strides = array<i32>} : memref<1280x1xf32, #tpu.memory_space<vmem>>, vector<1280x1xf32>,
    %swap3A_37 = arith.constant 0 : index
    %swap3A_38 = arith.constant 0 : index
    %swap3A_39 = vector.load %arg6[%swap3A_37, %swap3A_38] : memref<1280x1xf32, #tpu.memory_space<vmem>>, vector<1280x1xf32>
    tpu.vector_store %arg6[%swap3A_37, %swap3A_38], %select_n3A_34 {strides = array<i32>} : memref<1280x1xf32, #tpu.memory_space<vmem>>, vector<1280x1xf32>,
    %get3A_40 = arith.constant 0 : index
    %get3A_41 = arith.constant 0 : index
    %get3A_42 = vector.load %arg1[%get3A_40, %get3A_41] : memref<1280x128xf32, #tpu.memory_space<vmem>>, vector<1280x128xf32>
    %mul3A = vector.broadcast %select_n3A : vector<1280x1xf32> to vector<1280x128xf32>
    %mul3A_43 = arith.mulf %get3A_42, %mul3A : vector<1280x128xf32>
    %swap3A_44 = arith.constant 0 : index
    %swap3A_45 = arith.constant 0 : index
    %swap3A_46 = vector.load %arg4[%swap3A_44, %swap3A_45] : memref<1280x128xf32, #tpu.memory_space<vmem>>, vector<1280x128xf32>
    tpu.vector_store %arg4[%swap3A_44, %swap3A_45], %mul3A_43 {strides = array<i32>} : memref<1280x128xf32, #tpu.memory_space<vmem>>, vector<1280x128xf32>,
    return
  }
  func.func @transform_0(%arg0: i32) -> (i32, i32) {
    %c0_i32 = arith.constant 0 : i32
    %c0_i32_0 = arith.constant 0 : i32
    return %arg0, %c0_i32 : i32, i32
  }
  func.func @transform_1(%arg0: i32) -> (i32, i32, i32) {
    %c0_i32 = arith.constant 0 : i32
    %c0_i32_0 = arith.constant 0 : i32
    %c0_i32_1 = arith.constant 0 : i32
    return %c0_i32, %arg0, %c0_i32_0 : i32, i32, i32
  }
  func.func @transform_2(%arg0: i32) -> (i32, i32, i32) {
    %c0_i32 = arith.constant 0 : i32
    %c0_i32_0 = arith.constant 0 : i32
    %c0_i32_1 = arith.constant 0 : i32
    return %c0_i32, %arg0, %c0_i32_0 : i32, i32, i32
  }
  func.func @transform_3(%arg0: i32) -> (i32, i32) {
    %c0_i32 = arith.constant 0 : i32
    %c0_i32_0 = arith.constant 0 : i32
    return %arg0, %c0_i32 : i32, i32
  }
  func.func @transform_4(%arg0: i32) -> (i32, i32) {
    %c0_i32 = arith.constant 0 : i32
    %c0_i32_0 = arith.constant 0 : i32
    return %arg0, %c0_i32 : i32, i32
  }
  func.func @transform_5(%arg0: i32) -> (i32, i32) {
    %c0_i32 = arith.constant 0 : i32
    %c0_i32_0 = arith.constant 0 : i32
    return %arg0, %c0_i32 : i32, i32
  }
}

module attributes {stable_mosaic.version = 14 : i64} {
  func.func @_dense_body(%arg0: i32, %arg1: memref<2x1280x128xf32, #tpu.memory_space<vmem>>, %arg2: memref<1280x1xf32, #tpu.memory_space<vmem>>, %arg3: memref<1280x1xf32, #tpu.memory_space<vmem>>, %arg4: memref<128x128xf32, #tpu.memory_space<vmem>>, %arg5: memref<1x128xf32, #tpu.memory_space<vmem>>, %arg6: memref<128x64xf32, #tpu.memory_space<vmem>>, %arg7: memref<1280x64xf32, #tpu.memory_space<vmem>>) attributes {dimension_semantics = [#tpu.dimension_semantics<arbitrary>], iteration_bounds = array<i64: 8>, scalar_prefetch = 0 : i64, scratch_operands = 0 : i64, tpu.core_type = #tpu.core_type<tc>, window_params = [{transform_indices = @transform_0, window_bounds = array<i64: 2, 1280, 128>}, {transform_indices = @transform_1, window_bounds = array<i64: 1280, 1>}, {transform_indices = @transform_2, window_bounds = array<i64: 1280, 1>}, {pipeline_mode = #tpu.pipeline_mode<synchronous>, transform_indices = @transform_3, window_bounds = array<i64: 128, 128>}, {pipeline_mode = #tpu.pipeline_mode<synchronous>, transform_indices = @transform_4, window_bounds = array<i64: 1, 128>}, {pipeline_mode = #tpu.pipeline_mode<synchronous>, transform_indices = @transform_5, window_bounds = array<i64: 128, 64>}, {transform_indices = @transform_6, window_bounds = array<i64: 1280, 64>}]} {
    %get3A = arith.constant 0 : index
    %get3A_0 = arith.constant 0 : index
    %get3A_1 = arith.constant 0 : index
    %get3A_2 = vector.load %arg1[%get3A, %get3A_0, %get3A_1] : memref<2x1280x128xf32, #tpu.memory_space<vmem>>, vector<1x1280x128xf32>
    %get3A_3 = vector.shape_cast %get3A_2 : vector<1x1280x128xf32> to vector<1280x128xf32>
    %get3A_4 = arith.constant 1 : index
    %get3A_5 = arith.constant 0 : index
    %get3A_6 = arith.constant 0 : index
    %get3A_7 = vector.load %arg1[%get3A_4, %get3A_5, %get3A_6] : memref<2x1280x128xf32, #tpu.memory_space<vmem>>, vector<1x1280x128xf32>
    %get3A_8 = vector.shape_cast %get3A_7 : vector<1x1280x128xf32> to vector<1280x128xf32>
    %add3A = arith.addf %get3A_3, %get3A_8 : vector<1280x128xf32>
    %get3A_9 = arith.constant 0 : index
    %get3A_10 = arith.constant 0 : index
    %get3A_11 = vector.load %arg2[%get3A_9, %get3A_10] : memref<1280x1xf32, #tpu.memory_space<vmem>>, vector<1280x1xf32>
    %mul3A = vector.broadcast %get3A_11 : vector<1280x1xf32> to vector<1280x128xf32>
    %mul3A_12 = arith.mulf %add3A, %mul3A : vector<1280x128xf32>
    %get3A_13 = arith.constant 0 : index
    %get3A_14 = arith.constant 0 : index
    %get3A_15 = vector.load %arg4[%get3A_13, %get3A_14] : memref<128x128xf32, #tpu.memory_space<vmem>>, vector<128x128xf32>
    %dot_general3A = arith.constant dense<0.000000e+00> : vector<1280x128xf32>
    %dot_general3A_16 = tpu.matmul %mul3A_12, %get3A_15, %dot_general3A {dimension_numbers = #tpu.dot_dimension_numbers<[1], [0], [0], [1], [0, 0, 1, 1], [], []>, transpose_lhs_hint = false} : vector<1280x128xf32>, vector<128x128xf32>, vector<1280x128xf32> -> vector<1280x128xf32>
    %get3A_17 = arith.constant 0 : index
    %get3A_18 = arith.constant 0 : index
    %get3A_19 = vector.load %arg5[%get3A_17, %get3A_18] : memref<1x128xf32, #tpu.memory_space<vmem>>, vector<1x128xf32>
    %add3A_20 = vector.broadcast %get3A_19 : vector<1x128xf32> to vector<1280x128xf32>
    %add3A_21 = arith.addf %dot_general3A_16, %add3A_20 : vector<1280x128xf32>
    %max3A = arith.constant 0.000000e+00 : f32
    %max3A_22 = vector.broadcast %max3A : f32 to vector<1280x128xf32>
    %max3A_23 = arith.maximumf %add3A_21, %max3A_22 : vector<1280x128xf32>
    %get3A_24 = arith.constant 0 : index
    %get3A_25 = arith.constant 0 : index
    %get3A_26 = vector.load %arg6[%get3A_24, %get3A_25] : memref<128x64xf32, #tpu.memory_space<vmem>>, vector<128x64xf32>
    %dot_general3A_27 = arith.constant dense<0.000000e+00> : vector<1280x64xf32>
    %dot_general3A_28 = tpu.matmul %max3A_23, %get3A_26, %dot_general3A_27 {dimension_numbers = #tpu.dot_dimension_numbers<[1], [0], [0], [1], [0, 0, 1, 1], [], []>, transpose_lhs_hint = false} : vector<1280x128xf32>, vector<128x64xf32>, vector<1280x64xf32> -> vector<1280x64xf32>
    %get3A_29 = arith.constant 0 : index
    %get3A_30 = arith.constant 0 : index
    %get3A_31 = vector.load %arg3[%get3A_29, %get3A_30] : memref<1280x1xf32, #tpu.memory_space<vmem>>, vector<1280x1xf32>
    %mul3A_32 = vector.broadcast %get3A_31 : vector<1280x1xf32> to vector<1280x64xf32>
    %mul3A_33 = arith.mulf %dot_general3A_28, %mul3A_32 : vector<1280x64xf32>
    %swap3A = arith.constant 0 : index
    %swap3A_34 = arith.constant 0 : index
    %swap3A_35 = vector.load %arg7[%swap3A, %swap3A_34] : memref<1280x64xf32, #tpu.memory_space<vmem>>, vector<1280x64xf32>
    tpu.vector_store %arg7[%swap3A, %swap3A_34], %mul3A_33 {strides = array<i32>} : memref<1280x64xf32, #tpu.memory_space<vmem>>, vector<1280x64xf32>,
    return
  }
  func.func @transform_0(%arg0: i32) -> (i32, i32, i32) {
    %c0_i32 = arith.constant 0 : i32
    %c0_i32_0 = arith.constant 0 : i32
    %c0_i32_1 = arith.constant 0 : i32
    return %c0_i32, %arg0, %c0_i32_0 : i32, i32, i32
  }
  func.func @transform_1(%arg0: i32) -> (i32, i32) {
    %c0_i32 = arith.constant 0 : i32
    %c0_i32_0 = arith.constant 0 : i32
    return %arg0, %c0_i32 : i32, i32
  }
  func.func @transform_2(%arg0: i32) -> (i32, i32) {
    %c0_i32 = arith.constant 0 : i32
    %c0_i32_0 = arith.constant 0 : i32
    return %arg0, %c0_i32 : i32, i32
  }
  func.func @transform_3(%arg0: i32) -> (i32, i32) {
    %c0_i32 = arith.constant 0 : i32
    %c0_i32_0 = arith.constant 0 : i32
    %c0_i32_1 = arith.constant 0 : i32
    return %c0_i32, %c0_i32_0 : i32, i32
  }
  func.func @transform_4(%arg0: i32) -> (i32, i32) {
    %c0_i32 = arith.constant 0 : i32
    %c0_i32_0 = arith.constant 0 : i32
    %c0_i32_1 = arith.constant 0 : i32
    return %c0_i32, %c0_i32_0 : i32, i32
  }
  func.func @transform_5(%arg0: i32) -> (i32, i32) {
    %c0_i32 = arith.constant 0 : i32
    %c0_i32_0 = arith.constant 0 : i32
    %c0_i32_1 = arith.constant 0 : i32
    return %c0_i32, %c0_i32_0 : i32, i32
  }
  func.func @transform_6(%arg0: i32) -> (i32, i32) {
    %c0_i32 = arith.constant 0 : i32
    %c0_i32_0 = arith.constant 0 : i32
    return %arg0, %c0_i32 : i32, i32
  }
}

module attributes {stable_mosaic.version = 14 : i64} {
  func.func @_final_body(%arg0: i32, %arg1: memref<2x1280x64xf32, #tpu.memory_space<vmem>>, %arg2: memref<1280x1xf32, #tpu.memory_space<vmem>>, %arg3: memref<1x64xf32, #tpu.memory_space<vmem>>, %arg4: memref<1280x64xf32, #tpu.memory_space<vmem>>) attributes {dimension_semantics = [#tpu.dimension_semantics<arbitrary>], iteration_bounds = array<i64: 8>, scalar_prefetch = 0 : i64, scratch_operands = 0 : i64, tpu.core_type = #tpu.core_type<tc>, window_params = [{transform_indices = @transform_0, window_bounds = array<i64: 2, 1280, 64>}, {transform_indices = @transform_1, window_bounds = array<i64: 1280, 1>}, {pipeline_mode = #tpu.pipeline_mode<synchronous>, transform_indices = @transform_2, window_bounds = array<i64: 1, 64>}, {transform_indices = @transform_3, window_bounds = array<i64: 1280, 64>}]} {
    %get3A = arith.constant 0 : index
    %get3A_0 = arith.constant 0 : index
    %get3A_1 = arith.constant 0 : index
    %get3A_2 = vector.load %arg1[%get3A, %get3A_0, %get3A_1] : memref<2x1280x64xf32, #tpu.memory_space<vmem>>, vector<1x1280x64xf32>
    %get3A_3 = vector.shape_cast %get3A_2 : vector<1x1280x64xf32> to vector<1280x64xf32>
    %get3A_4 = arith.constant 1 : index
    %get3A_5 = arith.constant 0 : index
    %get3A_6 = arith.constant 0 : index
    %get3A_7 = vector.load %arg1[%get3A_4, %get3A_5, %get3A_6] : memref<2x1280x64xf32, #tpu.memory_space<vmem>>, vector<1x1280x64xf32>
    %get3A_8 = vector.shape_cast %get3A_7 : vector<1x1280x64xf32> to vector<1280x64xf32>
    %add3A = arith.addf %get3A_3, %get3A_8 : vector<1280x64xf32>
    %get3A_9 = arith.constant 0 : index
    %get3A_10 = arith.constant 0 : index
    %get3A_11 = vector.load %arg2[%get3A_9, %get3A_10] : memref<1280x1xf32, #tpu.memory_space<vmem>>, vector<1280x1xf32>
    %mul3A = vector.broadcast %get3A_11 : vector<1280x1xf32> to vector<1280x64xf32>
    %mul3A_12 = arith.mulf %add3A, %mul3A : vector<1280x64xf32>
    %get3A_13 = arith.constant 0 : index
    %get3A_14 = arith.constant 0 : index
    %get3A_15 = vector.load %arg3[%get3A_13, %get3A_14] : memref<1x64xf32, #tpu.memory_space<vmem>>, vector<1x64xf32>
    %add3A_16 = vector.broadcast %get3A_15 : vector<1x64xf32> to vector<1280x64xf32>
    %add3A_17 = arith.addf %mul3A_12, %add3A_16 : vector<1280x64xf32>
    %swap3A = arith.constant 0 : index
    %swap3A_18 = arith.constant 0 : index
    %swap3A_19 = vector.load %arg4[%swap3A, %swap3A_18] : memref<1280x64xf32, #tpu.memory_space<vmem>>, vector<1280x64xf32>
    tpu.vector_store %arg4[%swap3A, %swap3A_18], %add3A_17 {strides = array<i32>} : memref<1280x64xf32, #tpu.memory_space<vmem>>, vector<1280x64xf32>,
    return
  }
  func.func @transform_0(%arg0: i32) -> (i32, i32, i32) {
    %c0_i32 = arith.constant 0 : i32
    %c0_i32_0 = arith.constant 0 : i32
    %c0_i32_1 = arith.constant 0 : i32
    return %c0_i32, %arg0, %c0_i32_0 : i32, i32, i32
  }
  func.func @transform_1(%arg0: i32) -> (i32, i32) {
    %c0_i32 = arith.constant 0 : i32
    %c0_i32_0 = arith.constant 0 : i32
    return %arg0, %c0_i32 : i32, i32
  }
  func.func @transform_2(%arg0: i32) -> (i32, i32) {
    %c0_i32 = arith.constant 0 : i32
    %c0_i32_0 = arith.constant 0 : i32
    %c0_i32_1 = arith.constant 0 : i32
    return %c0_i32, %c0_i32_0 : i32, i32
  }
  func.func @transform_3(%arg0: i32) -> (i32, i32) {
    %c0_i32 = arith.constant 0 : i32
    %c0_i32_0 = arith.constant 0 : i32
    return %arg0, %c0_i32 : i32, i32
  }
}

</mosaic_0001>

<sc_bundles>
// kernel: kernel.11.cloned.1.call-start
scs
__scs_entry_jumppad:
0x0: {  	(pc) =	sbr.rel $0x88, $3  }
0x1: {  	(tag) =	ssettag $0x0;
	lr =	simm.s32 $0x1  }
0x2: {  	[smem:$0x3F9B] =	sst lr;
	_ =	strace $0xD0000000  }
0x3: {  	_ = 	snop  }
0x4: {  	_ = 	snop  }
0x5: {  	_ = 	snop  }
0x6: {  	_ = 	snop  }
0x7: {  	_ = 	snop  }
__scs_overlays_trampoline_lowered:
0x8: {  	[smem:$0x3FAA] =	sst s0  }
0x9: {  	[smem:$0x3FAB] =	sst s1  }
0xa: {  	[smem:$0x3FAC] =	sst s2  }
0xb: {  	[smem:$0x3FAD] =	sst s3  }
0xc: {  	[smem:$0x3FAE] =	sst s4  }
0xd: {  	[smem:$0x3FAF] =	sst s5  }
0xe: {  	[smem:$0x3FB0] =	sst s6  }
0xf: {  	[smem:$0x3FB1] =	sst s7  }
0x10: {  	[smem:$0x3FB2] =	sst s8  }
0x11: {  	[smem:$0x3FB3] =	sst s9;
	s0 =	simm.s32 @!p0 $0x0  }
0x12: {  	s1 =	sld [smem:$0x3F99];
	s0 =	simm.s32 @p0 $0x1  }
0x13: {  	[smem:$0x3FB4] =	sst s0;
	s0 =	simm.s32 @!p1 $0x0  }
0x14: {  	s2 =	sld [smem:$0x3F98];
	s0 =	simm.s32 @p1 $0x1  }
0x15: {  	[smem:$0x3FB5] =	sst s0;
	s0 =	simm.s32 @!p2 $0x0  }
0x16: {  	s3 =	sld [smem:$0x3FDB];
	s0 =	simm.s32 @p2 $0x1  }
0x17: {  	s4 =	simm.s32 $0x1BF5;
	[smem:$0x3FB7] =	sst s0  }
0x18: {  	s0 =	sld [smem:$0x3F9A];
	_ =	swait.ge [sflag:s4], $0x0  }
0x19: {  	s7 =	sld [smem:$0x3F9B]  }
0x1a: {  	s8 =	sadd.s32 $0xFFFFE003, lr  }
0x1b: {  	s9 =	sadd.s32 $0xFFFFFEF7, lr;
	s5 =	simm.s32 $0xFFFFFFFF;
	p2 =	slt.u32 s8, $0xFFFFF086  }
0x1c: {  	p1 =	slt.u32 s9, $0xF7A;
	s5 =	simm.s32 @!p2 $0x0  }
0x1d: {  	s5 =	simm.s32 @p1 $0x1;
	p0 =	seq.s32 s7, s2  }
0x1e: {  	s7 =	smul.u32 @!p0 $0xF7A, s2;
	p2 =	seq.s32 @!p0 s5, $0x0  }
0x1f: {  	s9 =	smul.u32 $0xF7A, s1;
	s8 =	simm.s32 @!p0 $0x1BF5;
	p2 =	por !p2, p0  }
0x20: {  	[sflag:s8] =	ssyncset.s32 @!p0 $0xFFFFF086;
	s6 =	sadd.s32 @!p0 s3, s7;
	s7 =	simm.s32 @!p0 $0x108  }
0x21: {  	s3 =	sadd.s32 s3, s9;
	s6 =	sadd.s32 @!p0 $0x88, s6;
	s7 =	simm.s32 @p2 $0x1082  }
0x22: {  	[simem:s7], [sflag:s8] =	dma.local @!p0 [hbm:s6], $0xF7A  }
0x23: {  	s9 =	sor.u32 $0xD0000000, s2;
	s6 =	simm.s32 $0x108;
	_ =	swait.ge @!p0 [sflag:s8], $0x0  }
0x24: {  	s3 =	sadd.s32 $0x88, s3;
	s6 =	simm.s32 @!p1 $0x1082;
	[sflag:s4] =	ssyncset.s32 $0xFFFFF086  }
0x25: {  	[simem:s6], [sflag:s4] =	dma.local [hbm:s3], $0xF7A  }
0x26: {  	[smem:$0x3F9B] =	sst s1;
	(tag) =	ssettag s2;
	_ =	strace s9  }
0x27: {  	s1 =	sld [smem:$0x3FAB]  }
0x28: {  	s2 =	sld [smem:$0x3FAC]  }
0x29: {  	s4 =	sld [smem:$0x3FAE]  }
0x2a: {  	p0 =	seq.s32 s5, $0x0;
	s5 =	sld [smem:$0x3FAF]  }
0x2b: {  	s6 =	sld [smem:$0x3FB0]  }
0x2c: {  	s7 =	sld [smem:$0x3FB1]  }
0x2d: {  	s3 =	simm.s32 $0x108;
	s8 =	sld [smem:$0x3FB2]  }
0x2e: {  	s3 =	simm.s32 @!p0 $0x1082;
	s9 =	sld [smem:$0x3FB3]  }
0x2f: {  	lr =	sadd.s32 s0, s3;
	s0 =	sld [smem:$0x3FAA]  }
0x30: {  	s3 =	sld [smem:$0x3FAD]  }
0x31: {  	[smem:$0x3FB6] =	sst s10  }
0x32: {  	s10 =	sld [smem:$0x3FB4];
	_ =	sdelay $0x3  }
0x33: {  	p0 =	seq.s32 s10, $0x1;
	s10 =	sld [smem:$0x3FB6];
	_ =	sdelay $0x3  }
0x34: {  	[smem:$0x3FB6] =	sst s10  }
0x35: {  	s10 =	sld [smem:$0x3FB5];
	_ =	sdelay $0x3  }
0x36: {  	p1 =	seq.s32 s10, $0x1;
	s10 =	sld [smem:$0x3FB6];
	_ =	sdelay $0x3  }
0x37: {  	[smem:$0x3FB6] =	sst s10  }
0x38: {  	s10 =	sld [smem:$0x3FB7]  }
0x39: {  	_ = 	snop;
	(pc) =	sbr.ind lr, $3  }
0x3a: {  	_ = 	snop  }
0x3b: {  	_ = 	snop  }
0x3c: {  	p2 =	seq.s32 s10, $0x1;
	s10 =	sld [smem:$0x3FB6]  }
0x3d: {  	_ =	shalt  }
0x3e: {  	_ =	shalt  }
0x3f: {  	_ =	shalt  }
0x40: {  	_ =	shalt  }
0x41: {  	_ =	shalt  }
0x42: {  	_ =	shalt  }
0x43: {  	_ =	shalt  }
0x44: {  	_ =	shalt  }
0x45: {  	_ =	shalt  }
0x46: {  	_ =	shalt  }
0x47: {  	_ =	shalt  }
0x48: {  	_ =	shalt  }
0x49: {  	_ =	shalt  }
0x4a: {  	_ =	shalt  }
0x4b: {  	_ =	shalt  }
0x4c: {  	_ =	shalt  }
0x4d: {  	_ =	shalt  }
0x4e: {  	_ =	shalt  }
0x4f: {  	_ =	shalt  }
0x50: {  	_ =	shalt  }
0x51: {  	_ =	shalt  }
0x52: {  	_ =	shalt  }
0x53: {  	_ =	shalt  }
0x54: {  	_ =	shalt  }
0x55: {  	_ =	shalt  }
0x56: {  	_ =	shalt  }
0x57: {  	_ =	shalt  }
0x58: {  	_ =	shalt  }
0x59: {  	_ =	shalt  }
0x5a: {  	_ =	shalt  }
0x5b: {  	_ =	shalt  }
0x5c: {  	_ =	shalt  }
0x5d: {  	_ =	shalt  }
0x5e: {  	_ =	shalt  }
0x5f: {  	_ =	shalt  }
0x60: {  	_ =	shalt  }
0x61: {  	_ =	shalt  }
0x62: {  	_ =	shalt  }
0x63: {  	_ =	shalt  }
0x64: {  	_ =	shalt  }
0x65: {  	_ =	shalt  }
0x66: {  	_ =	shalt  }
0x67: {  	_ =	shalt  }
0x68: {  	_ =	shalt  }
0x69: {  	_ =	shalt  }
0x6a: {  	_ =	shalt  }
0x6b: {  	_ =	shalt  }
0x6c: {  	_ =	shalt  }
0x6d: {  	_ =	shalt  }
0x6e: {  	_ =	shalt  }
0x6f: {  	_ =	shalt  }
0x70: {  	_ =	shalt  }
0x71: {  	_ =	shalt  }
0x72: {  	_ =	shalt  }
0x73: {  	_ =	shalt  }
0x74: {  	_ =	shalt  }
0x75: {  	_ =	shalt  }
0x76: {  	_ =	shalt  }
0x77: {  	_ =	shalt  }
0x78: {  	_ =	shalt  }
0x79: {  	_ =	shalt  }
0x7a: {  	_ =	shalt  }
0x7b: {  	_ =	shalt  }
0x7c: {  	_ =	shalt  }
0x7d: {  	_ =	shalt  }
0x7e: {  	_ =	shalt  }
0x7f: {  	_ =	shalt  }
0x80: {  	_ =	shalt  }
0x81: {  	_ =	shalt  }
0x82: {  	_ =	shalt  }
0x83: {  	_ =	shalt  }
0x84: {  	_ =	shalt  }
0x85: {  	_ =	shalt  }
0x86: {  	_ =	shalt  }
0x87: {  	_ =	shalt  }
.Lfunc_end0:
.L_simem_size_0:
called_computation.1_lowered:
.L_overlay_start_0:
0x88: {  	s2 =	sld [smem:$0x3FD9]  }
0x89: {  	s3 =	sld [smem:$0x3FFE];
	_ =	sdelay $0x1  }
0x8a: {  	s1 =	srdreg.scid  }
0x8b: {  	s0 =	sand.u32 $0x1, s1  }
0x8c: {  	s17 =	sshll.u32 s0, $0xA;
	s2 =	sadd.s32 s3, s2  }
0x8d: {  	s2 =	sadd.s32 s2, s17  }
0x8e: {  	[smem:$0x3FC2] =	sst s2  }
0x8f: {  	_ = 	snop  }
0x90: {  	s2 =	sld [smem:$0x3FD0];
	(tm) =	ssettm $0x1  }
0x91: {  	s18 =	sld [smem:$0x3FFB];
	_ =	sdelay $0x3  }
0x92: {  	_ =	strace s18  }
0x93: {  	s3 =	sld [smem:$0x3FFC];
	_ =	sdelay $0x3  }
0x94: {  	_ =	strace s3  }
0x95: {  	s3 =	sld [smem:$0x3FFD];
	_ =	sdelay $0x3  }
0x96: {  	_ =	strace s3  }
0x97: {  	_ =	strace $0x8FFFFFFF  }
0x98: {  	s19 =	sld [smem:$0x3FDB];
	_ =	sdelay $0x1  }
0x99: {  	s4 =	simm.s32 $_scs_section_size  }
0x9a: {  	s5 =	simm.s32 $_size__tile_overlayer_lowered;
	s6 =	simm.s32 $_tile_overlayer_lowered  }
0x9b: {  	s22 =	simm.s32 $0x1BFF;
	s21 =	sshll.u32 s6, $0x1;
	s3 =	sadd.s32 s4, s19  }
0x9c: {  	s7 =	simm.s32 $0x0;
	s20 =	sshll.u32 s5, $0x1;
	s5 =	sadd.s32 s21, s3  }
0x9d: {  	[timem:s7], [sflag:s22] =	dma.local [hbm:s5], s20  }
0x9e: {  	_ =	swait.ge [sflag:s22], s20  }
0x9f: {  	s4 =	ssub.s32 $0x0, s20;
	[sflag:s22] =	ssyncset.done $0x0  }
0xa0: {  	[sflag:s22] =	ssyncadd.s32 s4;
	_ =	sdelay $0x1  }
0xa1: {  	s23 =	simm.s32 $0x1B8B  }
0xa2: {  	_ =	swait.ge [sflag:s23], $0x1  }
0xa3: {  	[sflag:s23] =	ssyncset.done $0x0  }
0xa4: {  	s25 =	simm.s32 $0x1B8E;
	s24 =	sld [smem:$0x3FFE];
	[sflag:s23] =	ssyncadd.s32 $0xFFFFFFFF  }
0xa5: {  	s26 =	simm.s32 $execute0_lowered;
	[smem:$0x3FD2] =	sst s25  }
0xa6: {  	s5 =	sshll.u32 s26, $0x1;
	_ =	strace $0x80000049;
	[dreg:$0x1] =	wrdreg $0xFFFFFFFF  }
0xa7: {  	s28 =	simm.s32 $_size_execute0_lowered;
	s3 =	sadd.s32 s3, s5;
	[dreg:$0x0] =	wrdreg $0x0  }
0xa8: {  	s5 =	sshll.u32 s28, $0x1;
	[dreg:$0x2] =	wrdreg s3  }
0xa9: {  	[dreg:$0x3] =	wrdreg s5  }
0xaa: {  	[dreg:$0x4] =	wrdreg $0xC0  }
0xab: {  	_ =	task [dreg:s7], $0x5FFFF  }
0xac: {  	[dreg:$0x1] =	wrdreg $0xFFFFFFFF  }
0xad: {  	[dreg:$0x0] =	wrdreg $0x60  }
0xae: {  	[dreg:$0x2] =	wrdreg s24  }
0xaf: {  	[dreg:$0x3] =	wrdreg s2  }
0xb0: {  	[dreg:$0x4] =	wrdreg $0xAF800  }
0xb1: {  	[dreg:$0x5] =	wrdreg $0x9  }
0xb2: {  	_ =	task.clear_ibuf [dreg:s7], $0x6FFFF;
	_ =	strace $0x90000049  }
0xb3: {  	s29 =	simm.s32 $0x9;
	_ =	strace $0x8000004B  }
0xb4: {  	_ =	swait.ge [sflag:s29], $0x1  }
0xb5: {  	[sflag:s29] =	ssyncadd.s32 $0xFFFFFFFF  }
0xb6: {  	_ =	strace $0x9000004B  }
0xb7: {  	_ =	sfence  }
0xb8: {  	s30 =	sld [smem:$0x0];
	_ =	sdelay $0x2  }
0xb9: {  	s31 =	sshll.u32 s1, $0xD;
	s1 =	sshrl.u32 s1, $0x2  }
0xba: {  	s3 =	sand.u32 $0x4000, s31;
	s1 =	sadd.s32 s1, s30  }
0xbb: {  	s0 =	sor.u32 s3, s0;
	s1 =	sshll.u32 s1, $0x11  }
0xbc: {  	s0 =	sor.u32 s1, s0  }
0xbd: {  	s0 =	sadd.s32 $0x8F2B, s0  }
0xbe: {  	[sflag:s0] =	ssyncadd.remote.s32 $0x1  }
0xbf: {  	_ =	sfence.sel $0xFFFF  }
0xc0: {  	[dreg:$0x0] =	wrdreg $0xFFFFFFFF;
	(pc) =	sbr.abs _section_cstart, $3  }
0xc1: {  	[dreg:$0x1] =	wrdreg $0xFFFFFFFF  }
0xc2: {  	_ =	task.clear_ibuf [dreg:s7], $0x2FFFF;
	_ =	strace $0x9FFFFFFF  }
0xc3: {  	(tm) =	ssettm $0x7FFFFFFF  }
tec
execute0_lowered:
.L_overlay_start_1:
0x0: {  	(tag) =	ssettag $0x1  }
0x1: {  	s7 =	rddreg [dreg:$0x0]  }
0x2: {  	s0 =	srdreg.scid;
	s8 =	rddreg [dreg:$0x1]  }
0x3: {  	s2 =	rddreg [dreg:$0x2];
	s3 =	simm.s32 $0x0;
	s15 =	simm.s32 $0x4F80  }
0x4: {  	s16 =	simm.s32 $0x1;
	s17 =	simm.s32 $0x7F80;
	s18 =	simm.s32 $0x4  }
0x5: {  	s19 =	simm.s32 $0x2;
	s20 =	simm.s32 $0x2760;
	s21 =	simm.s32 $0x4EC0  }
0x6: {  	s22 =	simm.s32 $0x4F20;
	s6 =	sand.u32 $0x1, s0;
	s0 =	stileid.u32  }
0x7: {  	s24 =	simm.s32 $0x0;
	[smem:$0x7FF] =	sst s3;
	s10 =	smul.u32 $0x14000, s0  }
0x8: {  	s4 =	sadd.s32 $0xBE00, s7;
	s1 =	sshll.u32 s6, $0x4;
	s5 =	smul.u32 $0x140000, s6  }
0x9: {  	s6 =	ssub.s32 $0x2, s6;
	s23 =	sshll.u32 s0, $0x6;
	s1 =	sor.u32 s0, s1  }
0xa: {  	s31 =	sshrl.u32 s6, $0x1;
	s9 =	smul.u32 $0x4F8, s1;
	s1 =	rddreg [dreg:$0x3]  }
0xb: {  	_ =	strace $0x8000004A;
	s12 =	sadd.s32 s10, s5;
	s5 =	sadd.s32 $0x33E00, s7  }
0xc: {  	s13 =	ssub.s32 s6, s31;
	s14 =	sadd.s32 s10, s2;
	s6 =	sor.u32 $0x1C03, s23  }
0xd: {  	s23 =	sor.u32 $0x1C04, s23;
	s12 =	sshrl.u32 s12, $0x3;
	s10 =	smax.u32 s13, $0x1  }
0xe: {  	s13 =	simm.s32 $0x3;
	s11 =	sadd.s32 s9, s7;
	s12 =	sadd.s32 s12, s7  }
0xf: {  	s7 =	sadd.s32 s8, s9;
	s8 =	sadd.s32 $0x1E00, s11;
	s9 =	sadd.s32 $0x36600, s12  }
0x10: {  	s11 =	sshrl.u32 s14, $0x3;
	s12 =	simm.s32 $0x27C0;
	s14 =	simm.s32 $0x60  }
.LBB2_1:
0x11: {  	[spmem:s11], [sflag:s6] =	dma.local [hbm:s5], $0x2800  }
0x12: {  	[tilespmem:s3], [sflag:$0x3] =	stream.linear.gather [hbm4b:s7+s3], $0x27C0, $0x38;
	[tilespmem:$0x1EF80] =	vst v63  }
0x13: {  	_ = 	snop  }
0x14: {  	[tilespmem:s12], [sflag:$0x3] =	stream.linear.gather [hbm4b:s8+s3], $0x27C0, $0x38;
	[tilespmem:$0x1EF80] =	vst v63  }
0x15: {  	_ =	swait.ge [sflag:s13], $0x2800  }
0x16: {  	[sflag:s13] =	ssyncset.done $0x0  }
0x17: {  	[sflag:s13] =	ssyncadd.s32 $0xFFFFD800  }
0x18: {  	_ =	swait.ge [sflag:s13], $0x27C0  }
0x19: {  	[sflag:s13] =	ssyncset.done $0x0  }
0x1a: {  	[sflag:s13] =	ssyncadd.s32 $0xFFFFD840  }
0x1b: {  	_ =	swait.ge [sflag:s13], $0x27C0  }
0x1c: {  	[sflag:s13] =	ssyncset.done $0x0  }
0x1d: {  	[sflag:s13] =	ssyncadd.s32 $0xFFFFD840  }
0x1e: {  	[tilespmem:s15], [sflag:$0x1] =	stream.indirect.gather [hbm4b:s4+s14], $0x80, s3, s14, $0xb8;
	[tilespmem:$0x1EF80] =	vst v63  }
0x1f: {  	[bflag:$0x0] =	sbarrier.arrive $0xFFFF  }
0x20: {  	_ =	swait.ge [sflag:s16], $0x3000  }
0x21: {  	[sflag:s16] =	ssyncset.done $0x0  }
0x22: {  	s25 =	simm.s32 $0x60;
	[sflag:s16] =	ssyncadd.s32 $0xFFFFD000  }
0x23: {  	[tilespmem:s17], [sflag:$0x2] =	stream.indirect.gather [hbm4b:s4+s14], $0x80, s25, s14, $0xb8;
	[tilespmem:$0x1EF80] =	vst v63  }
0x24: {  	s29 =	simm.s32 $0x27C0  }
0x25: {  	[spmem:s2] =	stream.indirect.scatter.add.f32 [tilespmem:s15], [sflag:$0x4], $0x80, s29, s14, $0xb8;
	[tilespmem:$0x1EF80] =	vst v63  }
0x26: {  	_ =	swait.ge [sflag:s18], $0x3000  }
0x27: {  	[sflag:s18] =	ssyncset.done $0x0  }
0x28: {  	[sflag:s18] =	ssyncadd.s32 $0xFFFFD000  }
0x29: {  	_ =	swait.ge [sflag:s19], $0x3000  }
0x2a: {  	[sflag:s19] =	ssyncset.done $0x0  }
0x2b: {  	s30 =	simm.s32 $0xC0;
	[sflag:s19] =	ssyncadd.s32 $0xFFFFD000  }
0x2c: {  	[tilespmem:s15], [sflag:$0x1] =	stream.indirect.gather [hbm4b:s4+s14], $0x80, s30, s14, $0xb8;
	[tilespmem:$0x1EF80] =	vst v63  }
0x2d: {  	s31 =	simm.s32 $0x2820  }
0x2e: {  	[spmem:s2] =	stream.indirect.scatter.add.f32 [tilespmem:s17], [sflag:$0x4], $0x80, s31, s14, $0xb8;
	[tilespmem:$0x1EF80] =	vst v63  }
0x2f: {  	_ =	swait.ge [sflag:s18], $0x3000  }
0x30: {  	s25 =	simm.s32 $0x300;
	[sflag:s18] =	ssyncset.done $0x0  }
.LBB2_2:
0x31: {  	p0 =	sne.s32 s25, $0x9900  }
0x32: {  	[sflag:s18] =	ssyncadd.s32 $0xFFFFD000;
	s26 =	smov.u32 s25;
	s25 =	sadd.s32 $0x300, s25  }
0x33: {  	_ = 	snop  }
0x34: {  	_ =	swait.ge [sflag:s16], $0x3000  }
0x35: {  	s26 =	sshra.s32 s26, $0x2;
	[sflag:s16] =	ssyncset.done $0x0  }
0x36: {  	s28 =	sadd.s32 $0x60, s26;
	[sflag:s16] =	ssyncadd.s32 $0xFFFFD000  }
0x37: {  	[tilespmem:s17], [sflag:$0x2] =	stream.indirect.gather [hbm4b:s4+s14], $0x80, s28, s14, $0xb8;
	[tilespmem:$0x1EF80] =	vst v63  }
0x38: {  	s28 =	sadd.s32 $0x27C0, s26  }
0x39: {  	[spmem:s2] =	stream.indirect.scatter.add.f32 [tilespmem:s15], [sflag:$0x4], $0x80, s28, s14, $0xb8;
	[tilespmem:$0x1EF80] =	vst v63  }
0x3a: {  	_ =	swait.ge [sflag:s18], $0x3000  }
0x3b: {  	[sflag:s18] =	ssyncset.done $0x0  }
0x3c: {  	[sflag:s18] =	ssyncadd.s32 $0xFFFFD000  }
0x3d: {  	_ =	swait.ge [sflag:s19], $0x3000  }
0x3e: {  	[sflag:s19] =	ssyncset.done $0x0  }
0x3f: {  	s28 =	sadd.s32 $0xC0, s26;
	[sflag:s19] =	ssyncadd.s32 $0xFFFFD000  }
0x40: {  	[tilespmem:s15], [sflag:$0x1] =	stream.indirect.gather [hbm4b:s4+s14], $0x80, s28, s14, $0xb8;
	[tilespmem:$0x1EF80] =	vst v63  }
.Ltmp0:
0x41: {  	_ = 	snop;
	(pc) =	sbr.rel @p0 .LBB2_2-.Ltmp0, $4  }
0x42: {  	s26 =	sadd.s32 $0x2820, s26  }
0x43: {  	[spmem:s2] =	stream.indirect.scatter.add.f32 [tilespmem:s17], [sflag:$0x4], $0x80, s26, s14, $0xb8;
	[tilespmem:$0x1EF80] =	vst v63  }
0x44: {  	_ =	swait.ge [sflag:s18], $0x3000  }
0x45: {  	[sflag:s18] =	ssyncset.done $0x0  }
0x46: {  	[sflag:s18] =	ssyncadd.s32 $0xFFFFD000  }
0x47: {  	_ =	swait.ge [sflag:s16], $0x3000  }
0x48: {  	[sflag:s16] =	ssyncset.done $0x0  }
0x49: {  	[sflag:s16] =	ssyncadd.s32 $0xFFFFD000  }
0x4a: {  	[tilespmem:s17], [sflag:$0x2] =	stream.indirect.gather [hbm4b:s4+s14], $0x80, s20, s14, $0xb8;
	[tilespmem:$0x1EF80] =	vst v63  }
0x4b: {  	_ = 	snop  }
0x4c: {  	[spmem:s2] =	stream.indirect.scatter.add.f32 [tilespmem:s15], [sflag:$0x4], $0x80, s21, s14, $0xb8;
	[tilespmem:$0x1EF80] =	vst v63  }
0x4d: {  	_ =	swait.ge [sflag:s18], $0x3000  }
0x4e: {  	[sflag:s18] =	ssyncset.done $0x0  }
0x4f: {  	[sflag:s18] =	ssyncadd.s32 $0xFFFFD000  }
0x50: {  	_ =	swait.ge [sflag:s19], $0x3000  }
0x51: {  	[sflag:s19] =	ssyncset.done $0x0  }
0x52: {  	[sflag:s19] =	ssyncadd.s32 $0xFFFFD000  }
0x53: {  	[spmem:s2] =	stream.indirect.scatter.add.f32 [tilespmem:s17], [sflag:$0x4], $0x80, s22, s14, $0xb8;
	[tilespmem:$0x1EF80] =	vst v63  }
0x54: {  	_ =	swait.ge [sflag:s18], $0x3000  }
0x55: {  	s24 =	sadd.s32 $0x1, s24;
	[sflag:s18] =	ssyncset.done $0x0  }
0x56: {  	p0 =	sne.s32 s24, s10;
	[sflag:s18] =	ssyncadd.s32 $0xFFFFD000  }
.Ltmp1:
0x57: {  	[bflag:$0x0] =	sbarrier.arrive $0xFFFF;
	(pc) =	sbr.rel @p0 .LBB2_1-.Ltmp1, $4  }
0x58: {  	[hbm:s9], [sflag:s23] =	dma.local [spmem:s11], $0x2800  }
0x59: {  	_ =	swait.ge [sflag:s18], $0x2800  }
0x5a: {  	[sflag:s18] =	ssyncset.done $0x0  }
0x5b: {  	[sflag:s18] =	ssyncadd.s32 $0xFFFFD800  }
0x5c: {  	_ =	sfence.sel $0x180000  }
0x5d: {  	[bflag:$0x0] =	sbarrier.arrive $0xFFFF  }
0x5e: {  	p0 =	sne.s32 s0, $0x0;
	_ =	strace $0x9000004A  }
0x5f: {  	s0 =	sadd.s32 @!p0 $0x100000, s1;
	[bflag:$0x2] =	sbarrier.arrive $0xFFFF  }
0x60: {  	[sflag:s0] =	ssyncadd.tile.s32 @!p0 $0x1;
	_ =	shalt  }
.Lfunc_end2:
_tile_overlayer_lowered:
.L_overlay_start_2:
0x61: {  	(tag) =	ssettag $0x2  }
0x62: {  	s0 =	rddreg [dreg:$0x0];
	s2 =	stileid.u32  }
0x63: {  	s1 =	rddreg [dreg:$0x1];
	p0 =	sne.s32 s2, $0x0  }
0x64: {  	s3 =	rddreg [dreg:$0x2];
	[bflag:$0x3] =	sbarrier.arrive $0xFFFF;
	s2 =	simm.s32 @!p0 $0x1C04  }
0x65: {  	[timem:s3], [sflag:s2] =	dma.local @!p0 [hbm:s0], s1  }
0x66: {  	s0 =	simm.s32 @!p0 $0x4  }
0x67: {  	_ =	swait.ge @!p0 [sflag:s0], s1  }
0x68: {  	s1 =	ssub.s32 @!p0 $0x0, s1;
	[sflag:s0] =	ssyncset.done @!p0 $0x0  }
0x69: {  	[sflag:s0] =	ssyncadd.s32 @!p0 s1  }
0x6a: {  	[bflag:$0x3] =	sbarrier.arrive $0xFFFF  }
0x6b: {  	_ =	shalt  }

// kernel: kernel.14.cloned.1.call-start
scs
__scs_entry_jumppad:
0x0: {  	(pc) =	sbr.rel $0x88, $3  }
0x1: {  	(tag) =	ssettag $0x0;
	lr =	simm.s32 $0x1  }
0x2: {  	[smem:$0x3F9B] =	sst lr;
	_ =	strace $0xD0000000  }
0x3: {  	_ = 	snop  }
0x4: {  	_ = 	snop  }
0x5: {  	_ = 	snop  }
0x6: {  	_ = 	snop  }
0x7: {  	_ = 	snop  }
__scs_overlays_trampoline_lowered:
0x8: {  	[smem:$0x3FAA] =	sst s0  }
0x9: {  	[smem:$0x3FAB] =	sst s1  }
0xa: {  	[smem:$0x3FAC] =	sst s2  }
0xb: {  	[smem:$0x3FAD] =	sst s3  }
0xc: {  	[smem:$0x3FAE] =	sst s4  }
0xd: {  	[smem:$0x3FAF] =	sst s5  }
0xe: {  	[smem:$0x3FB0] =	sst s6  }
0xf: {  	[smem:$0x3FB1] =	sst s7  }
0x10: {  	[smem:$0x3FB2] =	sst s8  }
0x11: {  	[smem:$0x3FB3] =	sst s9;
	s0 =	simm.s32 @!p0 $0x0  }
0x12: {  	s1 =	sld [smem:$0x3F99];
	s0 =	simm.s32 @p0 $0x1  }
0x13: {  	[smem:$0x3FB4] =	sst s0;
	s0 =	simm.s32 @!p1 $0x0  }
0x14: {  	s2 =	sld [smem:$0x3F98];
	s0 =	simm.s32 @p1 $0x1  }
0x15: {  	[smem:$0x3FB5] =	sst s0;
	s0 =	simm.s32 @!p2 $0x0  }
0x16: {  	s3 =	sld [smem:$0x3FDB];
	s0 =	simm.s32 @p2 $0x1  }
0x17: {  	s4 =	simm.s32 $0x1BF5;
	[smem:$0x3FB7] =	sst s0  }
0x18: {  	s0 =	sld [smem:$0x3F9A];
	_ =	swait.ge [sflag:s4], $0x0  }
0x19: {  	s7 =	sld [smem:$0x3F9B]  }
0x1a: {  	s8 =	sadd.s32 $0xFFFFE003, lr  }
0x1b: {  	s9 =	sadd.s32 $0xFFFFFEF7, lr;
	s5 =	simm.s32 $0xFFFFFFFF;
	p2 =	slt.u32 s8, $0xFFFFF086  }
0x1c: {  	p1 =	slt.u32 s9, $0xF7A;
	s5 =	simm.s32 @!p2 $0x0  }
0x1d: {  	s5 =	simm.s32 @p1 $0x1;
	p0 =	seq.s32 s7, s2  }
0x1e: {  	s7 =	smul.u32 @!p0 $0xF7A, s2;
	p2 =	seq.s32 @!p0 s5, $0x0  }
0x1f: {  	s9 =	smul.u32 $0xF7A, s1;
	s8 =	simm.s32 @!p0 $0x1BF5;
	p2 =	por !p2, p0  }
0x20: {  	[sflag:s8] =	ssyncset.s32 @!p0 $0xFFFFF086;
	s6 =	sadd.s32 @!p0 s3, s7;
	s7 =	simm.s32 @!p0 $0x108  }
0x21: {  	s3 =	sadd.s32 s3, s9;
	s6 =	sadd.s32 @!p0 $0x88, s6;
	s7 =	simm.s32 @p2 $0x1082  }
0x22: {  	[simem:s7], [sflag:s8] =	dma.local @!p0 [hbm:s6], $0xF7A  }
0x23: {  	s9 =	sor.u32 $0xD0000000, s2;
	s6 =	simm.s32 $0x108;
	_ =	swait.ge @!p0 [sflag:s8], $0x0  }
0x24: {  	s3 =	sadd.s32 $0x88, s3;
	s6 =	simm.s32 @!p1 $0x1082;
	[sflag:s4] =	ssyncset.s32 $0xFFFFF086  }
0x25: {  	[simem:s6], [sflag:s4] =	dma.local [hbm:s3], $0xF7A  }
0x26: {  	[smem:$0x3F9B] =	sst s1;
	(tag) =	ssettag s2;
	_ =	strace s9  }
0x27: {  	s1 =	sld [smem:$0x3FAB]  }
0x28: {  	s2 =	sld [smem:$0x3FAC]  }
0x29: {  	s4 =	sld [smem:$0x3FAE]  }
0x2a: {  	p0 =	seq.s32 s5, $0x0;
	s5 =	sld [smem:$0x3FAF]  }
0x2b: {  	s6 =	sld [smem:$0x3FB0]  }
0x2c: {  	s7 =	sld [smem:$0x3FB1]  }
0x2d: {  	s3 =	simm.s32 $0x108;
	s8 =	sld [smem:$0x3FB2]  }
0x2e: {  	s3 =	simm.s32 @!p0 $0x1082;
	s9 =	sld [smem:$0x3FB3]  }
0x2f: {  	lr =	sadd.s32 s0, s3;
	s0 =	sld [smem:$0x3FAA]  }
0x30: {  	s3 =	sld [smem:$0x3FAD]  }
0x31: {  	[smem:$0x3FB6] =	sst s10  }
0x32: {  	s10 =	sld [smem:$0x3FB4];
	_ =	sdelay $0x3  }
0x33: {  	p0 =	seq.s32 s10, $0x1;
	s10 =	sld [smem:$0x3FB6];
	_ =	sdelay $0x3  }
0x34: {  	[smem:$0x3FB6] =	sst s10  }
0x35: {  	s10 =	sld [smem:$0x3FB5];
	_ =	sdelay $0x3  }
0x36: {  	p1 =	seq.s32 s10, $0x1;
	s10 =	sld [smem:$0x3FB6];
	_ =	sdelay $0x3  }
0x37: {  	[smem:$0x3FB6] =	sst s10  }
0x38: {  	s10 =	sld [smem:$0x3FB7]  }
0x39: {  	_ = 	snop;
	(pc) =	sbr.ind lr, $3  }
0x3a: {  	_ = 	snop  }
0x3b: {  	_ = 	snop  }
0x3c: {  	p2 =	seq.s32 s10, $0x1;
	s10 =	sld [smem:$0x3FB6]  }
0x3d: {  	_ =	shalt  }
0x3e: {  	_ =	shalt  }
0x3f: {  	_ =	shalt  }
0x40: {  	_ =	shalt  }
0x41: {  	_ =	shalt  }
0x42: {  	_ =	shalt  }
0x43: {  	_ =	shalt  }
0x44: {  	_ =	shalt  }
0x45: {  	_ =	shalt  }
0x46: {  	_ =	shalt  }
0x47: {  	_ =	shalt  }
0x48: {  	_ =	shalt  }
0x49: {  	_ =	shalt  }
0x4a: {  	_ =	shalt  }
0x4b: {  	_ =	shalt  }
0x4c: {  	_ =	shalt  }
0x4d: {  	_ =	shalt  }
0x4e: {  	_ =	shalt  }
0x4f: {  	_ =	shalt  }
0x50: {  	_ =	shalt  }
0x51: {  	_ =	shalt  }
0x52: {  	_ =	shalt  }
0x53: {  	_ =	shalt  }
0x54: {  	_ =	shalt  }
0x55: {  	_ =	shalt  }
0x56: {  	_ =	shalt  }
0x57: {  	_ =	shalt  }
0x58: {  	_ =	shalt  }
0x59: {  	_ =	shalt  }
0x5a: {  	_ =	shalt  }
0x5b: {  	_ =	shalt  }
0x5c: {  	_ =	shalt  }
0x5d: {  	_ =	shalt  }
0x5e: {  	_ =	shalt  }
0x5f: {  	_ =	shalt  }
0x60: {  	_ =	shalt  }
0x61: {  	_ =	shalt  }
0x62: {  	_ =	shalt  }
0x63: {  	_ =	shalt  }
0x64: {  	_ =	shalt  }
0x65: {  	_ =	shalt  }
0x66: {  	_ =	shalt  }
0x67: {  	_ =	shalt  }
0x68: {  	_ =	shalt  }
0x69: {  	_ =	shalt  }
0x6a: {  	_ =	shalt  }
0x6b: {  	_ =	shalt  }
0x6c: {  	_ =	shalt  }
0x6d: {  	_ =	shalt  }
0x6e: {  	_ =	shalt  }
0x6f: {  	_ =	shalt  }
0x70: {  	_ =	shalt  }
0x71: {  	_ =	shalt  }
0x72: {  	_ =	shalt  }
0x73: {  	_ =	shalt  }
0x74: {  	_ =	shalt  }
0x75: {  	_ =	shalt  }
0x76: {  	_ =	shalt  }
0x77: {  	_ =	shalt  }
0x78: {  	_ =	shalt  }
0x79: {  	_ =	shalt  }
0x7a: {  	_ =	shalt  }
0x7b: {  	_ =	shalt  }
0x7c: {  	_ =	shalt  }
0x7d: {  	_ =	shalt  }
0x7e: {  	_ =	shalt  }
0x7f: {  	_ =	shalt  }
0x80: {  	_ =	shalt  }
0x81: {  	_ =	shalt  }
0x82: {  	_ =	shalt  }
0x83: {  	_ =	shalt  }
0x84: {  	_ =	shalt  }
0x85: {  	_ =	shalt  }
0x86: {  	_ =	shalt  }
0x87: {  	_ =	shalt  }
.Lfunc_end0:
.L_simem_size_0:
called_computation.2_lowered:
.L_overlay_start_0:
0x88: {  	s2 =	sld [smem:$0x3FD9]  }
0x89: {  	s3 =	sld [smem:$0x3FFE];
	_ =	sdelay $0x1  }
0x8a: {  	s1 =	srdreg.scid  }
0x8b: {  	s0 =	sand.u32 $0x1, s1  }
0x8c: {  	s17 =	sshll.u32 s0, $0xA;
	s2 =	sadd.s32 s3, s2  }
0x8d: {  	s2 =	sadd.s32 s2, s17  }
0x8e: {  	[smem:$0x3FC2] =	sst s2  }
0x8f: {  	_ = 	snop  }
0x90: {  	s2 =	sld [smem:$0x3FD0];
	(tm) =	ssettm $0x1  }
0x91: {  	s18 =	sld [smem:$0x3FFB];
	_ =	sdelay $0x3  }
0x92: {  	_ =	strace s18  }
0x93: {  	s3 =	sld [smem:$0x3FFC];
	_ =	sdelay $0x3  }
0x94: {  	_ =	strace s3  }
0x95: {  	s3 =	sld [smem:$0x3FFD];
	_ =	sdelay $0x3  }
0x96: {  	_ =	strace s3  }
0x97: {  	_ =	strace $0x8FFFFFFF  }
0x98: {  	s19 =	sld [smem:$0x3FDB];
	_ =	sdelay $0x1  }
0x99: {  	s4 =	simm.s32 $_scs_section_size  }
0x9a: {  	s5 =	simm.s32 $_size__tile_overlayer_lowered;
	s6 =	simm.s32 $_tile_overlayer_lowered  }
0x9b: {  	s22 =	simm.s32 $0x1BFF;
	s21 =	sshll.u32 s6, $0x1;
	s3 =	sadd.s32 s4, s19  }
0x9c: {  	s7 =	simm.s32 $0x0;
	s20 =	sshll.u32 s5, $0x1;
	s5 =	sadd.s32 s21, s3  }
0x9d: {  	[timem:s7], [sflag:s22] =	dma.local [hbm:s5], s20  }
0x9e: {  	_ =	swait.ge [sflag:s22], s20  }
0x9f: {  	s4 =	ssub.s32 $0x0, s20;
	[sflag:s22] =	ssyncset.done $0x0  }
0xa0: {  	[sflag:s22] =	ssyncadd.s32 s4;
	_ =	sdelay $0x1  }
0xa1: {  	s23 =	simm.s32 $0x1B8B  }
0xa2: {  	_ =	swait.ge [sflag:s23], $0x1  }
0xa3: {  	[sflag:s23] =	ssyncset.done $0x0  }
0xa4: {  	s25 =	simm.s32 $0x1B8E;
	s24 =	sld [smem:$0x3FFE];
	[sflag:s23] =	ssyncadd.s32 $0xFFFFFFFF  }
0xa5: {  	s26 =	simm.s32 $execute0_lowered;
	[smem:$0x3FD2] =	sst s25  }
0xa6: {  	s5 =	sshll.u32 s26, $0x1;
	_ =	strace $0x8000004C;
	[dreg:$0x1] =	wrdreg $0xFFFFFFFF  }
0xa7: {  	s28 =	simm.s32 $_size_execute0_lowered;
	s3 =	sadd.s32 s3, s5;
	[dreg:$0x0] =	wrdreg $0x0  }
0xa8: {  	s5 =	sshll.u32 s28, $0x1;
	[dreg:$0x2] =	wrdreg s3  }
0xa9: {  	[dreg:$0x3] =	wrdreg s5  }
0xaa: {  	[dreg:$0x4] =	wrdreg $0xC0  }
0xab: {  	_ =	task [dreg:s7], $0x5FFFF  }
0xac: {  	[dreg:$0x1] =	wrdreg $0xFFFFFFFF  }
0xad: {  	[dreg:$0x0] =	wrdreg $0x60  }
0xae: {  	[dreg:$0x2] =	wrdreg s24  }
0xaf: {  	[dreg:$0x3] =	wrdreg s2  }
0xb0: {  	[dreg:$0x4] =	wrdreg $0x7F800  }
0xb1: {  	[dreg:$0x5] =	wrdreg $0x9  }
0xb2: {  	_ =	task.clear_ibuf [dreg:s7], $0x6FFFF;
	_ =	strace $0x9000004C  }
0xb3: {  	s29 =	simm.s32 $0x9;
	_ =	strace $0x8000004E  }
0xb4: {  	_ =	swait.ge [sflag:s29], $0x1  }
0xb5: {  	[sflag:s29] =	ssyncadd.s32 $0xFFFFFFFF  }
0xb6: {  	_ =	strace $0x9000004E  }
0xb7: {  	_ =	sfence  }
0xb8: {  	s30 =	sld [smem:$0x0];
	_ =	sdelay $0x2  }
0xb9: {  	s31 =	sshll.u32 s1, $0xD;
	s1 =	sshrl.u32 s1, $0x2  }
0xba: {  	s3 =	sand.u32 $0x4000, s31;
	s1 =	sadd.s32 s1, s30  }
0xbb: {  	s0 =	sor.u32 s3, s0;
	s1 =	sshll.u32 s1, $0x11  }
0xbc: {  	s0 =	sor.u32 s1, s0  }
0xbd: {  	s0 =	sadd.s32 $0x8F2B, s0  }
0xbe: {  	[sflag:s0] =	ssyncadd.remote.s32 $0x1  }
0xbf: {  	_ =	sfence.sel $0xFFFF  }
0xc0: {  	[dreg:$0x0] =	wrdreg $0xFFFFFFFF;
	(pc) =	sbr.abs _section_cstart, $3  }
0xc1: {  	[dreg:$0x1] =	wrdreg $0xFFFFFFFF  }
0xc2: {  	_ =	task.clear_ibuf [dreg:s7], $0x2FFFF;
	_ =	strace $0x9FFFFFFF  }
0xc3: {  	(tm) =	ssettm $0x7FFFFFFF  }
tec
execute0_lowered:
.L_overlay_start_1:
0x0: {  	(tag) =	ssettag $0x1  }
0x1: {  	s7 =	rddreg [dreg:$0x0]  }
0x2: {  	s0 =	srdreg.scid;
	s8 =	rddreg [dreg:$0x1]  }
0x3: {  	s2 =	rddreg [dreg:$0x2];
	s3 =	simm.s32 $0x0;
	s15 =	simm.s32 $0x4F80  }
0x4: {  	s16 =	simm.s32 $0x1;
	s17 =	simm.s32 $0x6780;
	s18 =	simm.s32 $0x4  }
0x5: {  	s19 =	simm.s32 $0x2;
	s20 =	simm.s32 $0x2760;
	s21 =	simm.s32 $0x4EC0  }
0x6: {  	s22 =	simm.s32 $0x4F20;
	s6 =	sand.u32 $0x1, s0;
	s0 =	stileid.u32  }
0x7: {  	s24 =	simm.s32 $0x0;
	[smem:$0x7FF] =	sst s3;
	s10 =	smul.u32 $0xA000, s0  }
0x8: {  	s4 =	sadd.s32 $0xBE00, s7;
	s1 =	sshll.u32 s6, $0x4;
	s5 =	smul.u32 $0xA0000, s6  }
0x9: {  	s6 =	ssub.s32 $0x2, s6;
	s23 =	sshll.u32 s0, $0x6;
	s1 =	sor.u32 s0, s1  }
0xa: {  	s31 =	sshrl.u32 s6, $0x1;
	s9 =	smul.u32 $0x4F8, s1;
	s1 =	rddreg [dreg:$0x3]  }
0xb: {  	_ =	strace $0x8000004D;
	s12 =	sadd.s32 s10, s5;
	s5 =	sadd.s32 $0x1FE00, s7  }
0xc: {  	s13 =	ssub.s32 s6, s31;
	s14 =	sadd.s32 s10, s2;
	s6 =	sor.u32 $0x1C03, s23  }
0xd: {  	s23 =	sor.u32 $0x1C04, s23;
	s12 =	sshrl.u32 s12, $0x3;
	s10 =	smax.u32 s13, $0x1  }
0xe: {  	s13 =	simm.s32 $0x3;
	s11 =	sadd.s32 s9, s7;
	s12 =	sadd.s32 s12, s7  }
0xf: {  	s7 =	sadd.s32 s8, s9;
	s8 =	sadd.s32 $0x1E00, s11;
	s9 =	sadd.s32 $0x21200, s12  }
0x10: {  	s11 =	sshrl.u32 s14, $0x3;
	s12 =	simm.s32 $0x27C0;
	s14 =	simm.s32 $0x60  }
.LBB2_1:
0x11: {  	[spmem:s11], [sflag:s6] =	dma.local [hbm:s5], $0x1400  }
0x12: {  	[tilespmem:s3], [sflag:$0x3] =	stream.linear.gather [hbm4b:s7+s3], $0x27C0, $0x38;
	[tilespmem:$0x11F80] =	vst v63  }
0x13: {  	_ = 	snop  }
0x14: {  	[tilespmem:s12], [sflag:$0x3] =	stream.linear.gather [hbm4b:s8+s3], $0x27C0, $0x38;
	[tilespmem:$0x11F80] =	vst v63  }
0x15: {  	_ =	swait.ge [sflag:s13], $0x1400  }
0x16: {  	[sflag:s13] =	ssyncset.done $0x0  }
0x17: {  	[sflag:s13] =	ssyncadd.s32 $0xFFFFEC00  }
0x18: {  	_ =	swait.ge [sflag:s13], $0x27C0  }
0x19: {  	[sflag:s13] =	ssyncset.done $0x0  }
0x1a: {  	[sflag:s13] =	ssyncadd.s32 $0xFFFFD840  }
0x1b: {  	_ =	swait.ge [sflag:s13], $0x27C0  }
0x1c: {  	[sflag:s13] =	ssyncset.done $0x0  }
0x1d: {  	[sflag:s13] =	ssyncadd.s32 $0xFFFFD840  }
0x1e: {  	[tilespmem:s15], [sflag:$0x1] =	stream.indirect.gather [hbm4b:s4+s14], $0x40, s3, s14, $0xb8;
	[tilespmem:$0x11F80] =	vst v63  }
0x1f: {  	[bflag:$0x0] =	sbarrier.arrive $0xFFFF  }
0x20: {  	_ =	swait.ge [sflag:s16], $0x1800  }
0x21: {  	[sflag:s16] =	ssyncset.done $0x0  }
0x22: {  	s25 =	simm.s32 $0x60;
	[sflag:s16] =	ssyncadd.s32 $0xFFFFE800  }
0x23: {  	[tilespmem:s17], [sflag:$0x2] =	stream.indirect.gather [hbm4b:s4+s14], $0x40, s25, s14, $0xb8;
	[tilespmem:$0x11F80] =	vst v63  }
0x24: {  	s29 =	simm.s32 $0x27C0  }
0x25: {  	[spmem:s2] =	stream.indirect.scatter.add.f32 [tilespmem:s15], [sflag:$0x4], $0x40, s29, s14, $0xb8;
	[tilespmem:$0x11F80] =	vst v63  }
0x26: {  	_ =	swait.ge [sflag:s18], $0x1800  }
0x27: {  	[sflag:s18] =	ssyncset.done $0x0  }
0x28: {  	[sflag:s18] =	ssyncadd.s32 $0xFFFFE800  }
0x29: {  	_ =	swait.ge [sflag:s19], $0x1800  }
0x2a: {  	[sflag:s19] =	ssyncset.done $0x0  }
0x2b: {  	s30 =	simm.s32 $0xC0;
	[sflag:s19] =	ssyncadd.s32 $0xFFFFE800  }
0x2c: {  	[tilespmem:s15], [sflag:$0x1] =	stream.indirect.gather [hbm4b:s4+s14], $0x40, s30, s14, $0xb8;
	[tilespmem:$0x11F80] =	vst v63  }
0x2d: {  	s31 =	simm.s32 $0x2820  }
0x2e: {  	[spmem:s2] =	stream.indirect.scatter.add.f32 [tilespmem:s17], [sflag:$0x4], $0x40, s31, s14, $0xb8;
	[tilespmem:$0x11F80] =	vst v63  }
0x2f: {  	_ =	swait.ge [sflag:s18], $0x1800  }
0x30: {  	s25 =	simm.s32 $0x300;
	[sflag:s18] =	ssyncset.done $0x0  }
.LBB2_2:
0x31: {  	p0 =	sne.s32 s25, $0x9900  }
0x32: {  	[sflag:s18] =	ssyncadd.s32 $0xFFFFE800;
	s26 =	smov.u32 s25;
	s25 =	sadd.s32 $0x300, s25  }
0x33: {  	_ = 	snop  }
0x34: {  	_ =	swait.ge [sflag:s16], $0x1800  }
0x35: {  	s26 =	sshra.s32 s26, $0x2;
	[sflag:s16] =	ssyncset.done $0x0  }
0x36: {  	s28 =	sadd.s32 $0x60, s26;
	[sflag:s16] =	ssyncadd.s32 $0xFFFFE800  }
0x37: {  	[tilespmem:s17], [sflag:$0x2] =	stream.indirect.gather [hbm4b:s4+s14], $0x40, s28, s14, $0xb8;
	[tilespmem:$0x11F80] =	vst v63  }
0x38: {  	s28 =	sadd.s32 $0x27C0, s26  }
0x39: {  	[spmem:s2] =	stream.indirect.scatter.add.f32 [tilespmem:s15], [sflag:$0x4], $0x40, s28, s14, $0xb8;
	[tilespmem:$0x11F80] =	vst v63  }
0x3a: {  	_ =	swait.ge [sflag:s18], $0x1800  }
0x3b: {  	[sflag:s18] =	ssyncset.done $0x0  }
0x3c: {  	[sflag:s18] =	ssyncadd.s32 $0xFFFFE800  }
0x3d: {  	_ =	swait.ge [sflag:s19], $0x1800  }
0x3e: {  	[sflag:s19] =	ssyncset.done $0x0  }
0x3f: {  	s28 =	sadd.s32 $0xC0, s26;
	[sflag:s19] =	ssyncadd.s32 $0xFFFFE800  }
0x40: {  	[tilespmem:s15], [sflag:$0x1] =	stream.indirect.gather [hbm4b:s4+s14], $0x40, s28, s14, $0xb8;
	[tilespmem:$0x11F80] =	vst v63  }
.Ltmp0:
0x41: {  	_ = 	snop;
	(pc) =	sbr.rel @p0 .LBB2_2-.Ltmp0, $4  }
0x42: {  	s26 =	sadd.s32 $0x2820, s26  }
0x43: {  	[spmem:s2] =	stream.indirect.scatter.add.f32 [tilespmem:s17], [sflag:$0x4], $0x40, s26, s14, $0xb8;
	[tilespmem:$0x11F80] =	vst v63  }
0x44: {  	_ =	swait.ge [sflag:s18], $0x1800  }
0x45: {  	[sflag:s18] =	ssyncset.done $0x0  }
0x46: {  	[sflag:s18] =	ssyncadd.s32 $0xFFFFE800  }
0x47: {  	_ =	swait.ge [sflag:s16], $0x1800  }
0x48: {  	[sflag:s16] =	ssyncset.done $0x0  }
0x49: {  	[sflag:s16] =	ssyncadd.s32 $0xFFFFE800  }
0x4a: {  	[tilespmem:s17], [sflag:$0x2] =	stream.indirect.gather [hbm4b:s4+s14], $0x40, s20, s14, $0xb8;
	[tilespmem:$0x11F80] =	vst v63  }
0x4b: {  	_ = 	snop  }
0x4c: {  	[spmem:s2] =	stream.indirect.scatter.add.f32 [tilespmem:s15], [sflag:$0x4], $0x40, s21, s14, $0xb8;
	[tilespmem:$0x11F80] =	vst v63  }
0x4d: {  	_ =	swait.ge [sflag:s18], $0x1800  }
0x4e: {  	[sflag:s18] =	ssyncset.done $0x0  }
0x4f: {  	[sflag:s18] =	ssyncadd.s32 $0xFFFFE800  }
0x50: {  	_ =	swait.ge [sflag:s19], $0x1800  }
0x51: {  	[sflag:s19] =	ssyncset.done $0x0  }
0x52: {  	[sflag:s19] =	ssyncadd.s32 $0xFFFFE800  }
0x53: {  	[spmem:s2] =	stream.indirect.scatter.add.f32 [tilespmem:s17], [sflag:$0x4], $0x40, s22, s14, $0xb8;
	[tilespmem:$0x11F80] =	vst v63  }
0x54: {  	_ =	swait.ge [sflag:s18], $0x1800  }
0x55: {  	s24 =	sadd.s32 $0x1, s24;
	[sflag:s18] =	ssyncset.done $0x0  }
0x56: {  	p0 =	sne.s32 s24, s10;
	[sflag:s18] =	ssyncadd.s32 $0xFFFFE800  }
.Ltmp1:
0x57: {  	[bflag:$0x0] =	sbarrier.arrive $0xFFFF;
	(pc) =	sbr.rel @p0 .LBB2_1-.Ltmp1, $4  }
0x58: {  	[hbm:s9], [sflag:s23] =	dma.local [spmem:s11], $0x1400  }
0x59: {  	_ =	swait.ge [sflag:s18], $0x1400  }
0x5a: {  	[sflag:s18] =	ssyncset.done $0x0  }
0x5b: {  	[sflag:s18] =	ssyncadd.s32 $0xFFFFEC00  }
0x5c: {  	_ =	sfence.sel $0x180000  }
0x5d: {  	[bflag:$0x0] =	sbarrier.arrive $0xFFFF  }
0x5e: {  	p0 =	sne.s32 s0, $0x0;
	_ =	strace $0x9000004D  }
0x5f: {  	s0 =	sadd.s32 @!p0 $0x100000, s1;
	[bflag:$0x2] =	sbarrier.arrive $0xFFFF  }
0x60: {  	[sflag:s0] =	ssyncadd.tile.s32 @!p0 $0x1;
	_ =	shalt  }
.Lfunc_end2:
_tile_overlayer_lowered:
.L_overlay_start_2:
0x61: {  	(tag) =	ssettag $0x2  }
0x62: {  	s0 =	rddreg [dreg:$0x0];
	s2 =	stileid.u32  }
0x63: {  	s1 =	rddreg [dreg:$0x1];
	p0 =	sne.s32 s2, $0x0  }
0x64: {  	s3 =	rddreg [dreg:$0x2];
	[bflag:$0x3] =	sbarrier.arrive $0xFFFF;
	s2 =	simm.s32 @!p0 $0x1C04  }
0x65: {  	[timem:s3], [sflag:s2] =	dma.local @!p0 [hbm:s0], s1  }
0x66: {  	s0 =	simm.s32 @!p0 $0x4  }
0x67: {  	_ =	swait.ge @!p0 [sflag:s0], s1  }
0x68: {  	s1 =	ssub.s32 @!p0 $0x0, s1;
	[sflag:s0] =	ssyncset.done @!p0 $0x0  }
0x69: {  	[sflag:s0] =	ssyncadd.s32 @!p0 s1  }
0x6a: {  	[bflag:$0x3] =	sbarrier.arrive $0xFFFF  }
0x6b: {  	_ =	shalt  }

// kernel: kernel.8.cloned.1.call-start
scs
__scs_entry_jumppad:
0x0: {  	(pc) =	sbr.rel $0x88, $3  }
0x1: {  	(tag) =	ssettag $0x0;
	lr =	simm.s32 $0x1  }
0x2: {  	[smem:$0x3F9B] =	sst lr;
	_ =	strace $0xD0000000  }
0x3: {  	_ = 	snop  }
0x4: {  	_ = 	snop  }
0x5: {  	_ = 	snop  }
0x6: {  	_ = 	snop  }
0x7: {  	_ = 	snop  }
__scs_overlays_trampoline_lowered:
0x8: {  	[smem:$0x3FAA] =	sst s0  }
0x9: {  	[smem:$0x3FAB] =	sst s1  }
0xa: {  	[smem:$0x3FAC] =	sst s2  }
0xb: {  	[smem:$0x3FAD] =	sst s3  }
0xc: {  	[smem:$0x3FAE] =	sst s4  }
0xd: {  	[smem:$0x3FAF] =	sst s5  }
0xe: {  	[smem:$0x3FB0] =	sst s6  }
0xf: {  	[smem:$0x3FB1] =	sst s7  }
0x10: {  	[smem:$0x3FB2] =	sst s8  }
0x11: {  	[smem:$0x3FB3] =	sst s9;
	s0 =	simm.s32 @!p0 $0x0  }
0x12: {  	s1 =	sld [smem:$0x3F99];
	s0 =	simm.s32 @p0 $0x1  }
0x13: {  	[smem:$0x3FB4] =	sst s0;
	s0 =	simm.s32 @!p1 $0x0  }
0x14: {  	s2 =	sld [smem:$0x3F98];
	s0 =	simm.s32 @p1 $0x1  }
0x15: {  	[smem:$0x3FB5] =	sst s0;
	s0 =	simm.s32 @!p2 $0x0  }
0x16: {  	s3 =	sld [smem:$0x3FDB];
	s0 =	simm.s32 @p2 $0x1  }
0x17: {  	s4 =	simm.s32 $0x1BF5;
	[smem:$0x3FB7] =	sst s0  }
0x18: {  	s0 =	sld [smem:$0x3F9A];
	_ =	swait.ge [sflag:s4], $0x0  }
0x19: {  	s7 =	sld [smem:$0x3F9B]  }
0x1a: {  	s8 =	sadd.s32 $0xFFFFE003, lr  }
0x1b: {  	s9 =	sadd.s32 $0xFFFFFEF7, lr;
	s5 =	simm.s32 $0xFFFFFFFF;
	p2 =	slt.u32 s8, $0xFFFFF086  }
0x1c: {  	p1 =	slt.u32 s9, $0xF7A;
	s5 =	simm.s32 @!p2 $0x0  }
0x1d: {  	s5 =	simm.s32 @p1 $0x1;
	p0 =	seq.s32 s7, s2  }
0x1e: {  	s7 =	smul.u32 @!p0 $0xF7A, s2;
	p2 =	seq.s32 @!p0 s5, $0x0  }
0x1f: {  	s9 =	smul.u32 $0xF7A, s1;
	s8 =	simm.s32 @!p0 $0x1BF5;
	p2 =	por !p2, p0  }
0x20: {  	[sflag:s8] =	ssyncset.s32 @!p0 $0xFFFFF086;
	s6 =	sadd.s32 @!p0 s3, s7;
	s7 =	simm.s32 @!p0 $0x108  }
0x21: {  	s3 =	sadd.s32 s3, s9;
	s6 =	sadd.s32 @!p0 $0x88, s6;
	s7 =	simm.s32 @p2 $0x1082  }
0x22: {  	[simem:s7], [sflag:s8] =	dma.local @!p0 [hbm:s6], $0xF7A  }
0x23: {  	s9 =	sor.u32 $0xD0000000, s2;
	s6 =	simm.s32 $0x108;
	_ =	swait.ge @!p0 [sflag:s8], $0x0  }
0x24: {  	s3 =	sadd.s32 $0x88, s3;
	s6 =	simm.s32 @!p1 $0x1082;
	[sflag:s4] =	ssyncset.s32 $0xFFFFF086  }
0x25: {  	[simem:s6], [sflag:s4] =	dma.local [hbm:s3], $0xF7A  }
0x26: {  	[smem:$0x3F9B] =	sst s1;
	(tag) =	ssettag s2;
	_ =	strace s9  }
0x27: {  	s1 =	sld [smem:$0x3FAB]  }
0x28: {  	s2 =	sld [smem:$0x3FAC]  }
0x29: {  	s4 =	sld [smem:$0x3FAE]  }
0x2a: {  	p0 =	seq.s32 s5, $0x0;
	s5 =	sld [smem:$0x3FAF]  }
0x2b: {  	s6 =	sld [smem:$0x3FB0]  }
0x2c: {  	s7 =	sld [smem:$0x3FB1]  }
0x2d: {  	s3 =	simm.s32 $0x108;
	s8 =	sld [smem:$0x3FB2]  }
0x2e: {  	s3 =	simm.s32 @!p0 $0x1082;
	s9 =	sld [smem:$0x3FB3]  }
0x2f: {  	lr =	sadd.s32 s0, s3;
	s0 =	sld [smem:$0x3FAA]  }
0x30: {  	s3 =	sld [smem:$0x3FAD]  }
0x31: {  	[smem:$0x3FB6] =	sst s10  }
0x32: {  	s10 =	sld [smem:$0x3FB4];
	_ =	sdelay $0x3  }
0x33: {  	p0 =	seq.s32 s10, $0x1;
	s10 =	sld [smem:$0x3FB6];
	_ =	sdelay $0x3  }
0x34: {  	[smem:$0x3FB6] =	sst s10  }
0x35: {  	s10 =	sld [smem:$0x3FB5];
	_ =	sdelay $0x3  }
0x36: {  	p1 =	seq.s32 s10, $0x1;
	s10 =	sld [smem:$0x3FB6];
	_ =	sdelay $0x3  }
0x37: {  	[smem:$0x3FB6] =	sst s10  }
0x38: {  	s10 =	sld [smem:$0x3FB7]  }
0x39: {  	_ = 	snop;
	(pc) =	sbr.ind lr, $3  }
0x3a: {  	_ = 	snop  }
0x3b: {  	_ = 	snop  }
0x3c: {  	p2 =	seq.s32 s10, $0x1;
	s10 =	sld [smem:$0x3FB6]  }
0x3d: {  	_ =	shalt  }
0x3e: {  	_ =	shalt  }
0x3f: {  	_ =	shalt  }
0x40: {  	_ =	shalt  }
0x41: {  	_ =	shalt  }
0x42: {  	_ =	shalt  }
0x43: {  	_ =	shalt  }
0x44: {  	_ =	shalt  }
0x45: {  	_ =	shalt  }
0x46: {  	_ =	shalt  }
0x47: {  	_ =	shalt  }
0x48: {  	_ =	shalt  }
0x49: {  	_ =	shalt  }
0x4a: {  	_ =	shalt  }
0x4b: {  	_ =	shalt  }
0x4c: {  	_ =	shalt  }
0x4d: {  	_ =	shalt  }
0x4e: {  	_ =	shalt  }
0x4f: {  	_ =	shalt  }
0x50: {  	_ =	shalt  }
0x51: {  	_ =	shalt  }
0x52: {  	_ =	shalt  }
0x53: {  	_ =	shalt  }
0x54: {  	_ =	shalt  }
0x55: {  	_ =	shalt  }
0x56: {  	_ =	shalt  }
0x57: {  	_ =	shalt  }
0x58: {  	_ =	shalt  }
0x59: {  	_ =	shalt  }
0x5a: {  	_ =	shalt  }
0x5b: {  	_ =	shalt  }
0x5c: {  	_ =	shalt  }
0x5d: {  	_ =	shalt  }
0x5e: {  	_ =	shalt  }
0x5f: {  	_ =	shalt  }
0x60: {  	_ =	shalt  }
0x61: {  	_ =	shalt  }
0x62: {  	_ =	shalt  }
0x63: {  	_ =	shalt  }
0x64: {  	_ =	shalt  }
0x65: {  	_ =	shalt  }
0x66: {  	_ =	shalt  }
0x67: {  	_ =	shalt  }
0x68: {  	_ =	shalt  }
0x69: {  	_ =	shalt  }
0x6a: {  	_ =	shalt  }
0x6b: {  	_ =	shalt  }
0x6c: {  	_ =	shalt  }
0x6d: {  	_ =	shalt  }
0x6e: {  	_ =	shalt  }
0x6f: {  	_ =	shalt  }
0x70: {  	_ =	shalt  }
0x71: {  	_ =	shalt  }
0x72: {  	_ =	shalt  }
0x73: {  	_ =	shalt  }
0x74: {  	_ =	shalt  }
0x75: {  	_ =	shalt  }
0x76: {  	_ =	shalt  }
0x77: {  	_ =	shalt  }
0x78: {  	_ =	shalt  }
0x79: {  	_ =	shalt  }
0x7a: {  	_ =	shalt  }
0x7b: {  	_ =	shalt  }
0x7c: {  	_ =	shalt  }
0x7d: {  	_ =	shalt  }
0x7e: {  	_ =	shalt  }
0x7f: {  	_ =	shalt  }
0x80: {  	_ =	shalt  }
0x81: {  	_ =	shalt  }
0x82: {  	_ =	shalt  }
0x83: {  	_ =	shalt  }
0x84: {  	_ =	shalt  }
0x85: {  	_ =	shalt  }
0x86: {  	_ =	shalt  }
0x87: {  	_ =	shalt  }
.Lfunc_end0:
.L_simem_size_0:
called_computation_lowered:
.L_overlay_start_0:
0x88: {  	s2 =	sld [smem:$0x3FD9]  }
0x89: {  	s3 =	sld [smem:$0x3FFE];
	_ =	sdelay $0x1  }
0x8a: {  	s1 =	srdreg.scid  }
0x8b: {  	s0 =	sand.u32 $0x1, s1  }
0x8c: {  	s17 =	sshll.u32 s0, $0xA;
	s2 =	sadd.s32 s3, s2  }
0x8d: {  	s2 =	sadd.s32 s2, s17  }
0x8e: {  	[smem:$0x3FC2] =	sst s2  }
0x8f: {  	_ = 	snop  }
0x90: {  	s2 =	sld [smem:$0x3FD0];
	(tm) =	ssettm $0x1  }
0x91: {  	s18 =	sld [smem:$0x3FFB];
	_ =	sdelay $0x3  }
0x92: {  	_ =	strace s18  }
0x93: {  	s3 =	sld [smem:$0x3FFC];
	_ =	sdelay $0x3  }
0x94: {  	_ =	strace s3  }
0x95: {  	s3 =	sld [smem:$0x3FFD];
	_ =	sdelay $0x3  }
0x96: {  	_ =	strace s3  }
0x97: {  	_ =	strace $0x8FFFFFFF  }
0x98: {  	s19 =	sld [smem:$0x3FDB];
	_ =	sdelay $0x1  }
0x99: {  	s4 =	simm.s32 $_scs_section_size  }
0x9a: {  	s5 =	simm.s32 $_size__tile_overlayer_lowered;
	s6 =	simm.s32 $_tile_overlayer_lowered  }
0x9b: {  	s22 =	simm.s32 $0x1BFF;
	s21 =	sshll.u32 s6, $0x1;
	s3 =	sadd.s32 s4, s19  }
0x9c: {  	s7 =	simm.s32 $0x0;
	s20 =	sshll.u32 s5, $0x1;
	s5 =	sadd.s32 s21, s3  }
0x9d: {  	[timem:s7], [sflag:s22] =	dma.local [hbm:s5], s20  }
0x9e: {  	_ =	swait.ge [sflag:s22], s20  }
0x9f: {  	s4 =	ssub.s32 $0x0, s20;
	[sflag:s22] =	ssyncset.done $0x0  }
0xa0: {  	[sflag:s22] =	ssyncadd.s32 s4;
	_ =	sdelay $0x1  }
0xa1: {  	s23 =	simm.s32 $0x1B8B  }
0xa2: {  	_ =	swait.ge [sflag:s23], $0x1  }
0xa3: {  	[sflag:s23] =	ssyncset.done $0x0  }
0xa4: {  	s25 =	simm.s32 $0x1B8E;
	s24 =	sld [smem:$0x3FFE];
	[sflag:s23] =	ssyncadd.s32 $0xFFFFFFFF  }
0xa5: {  	s26 =	simm.s32 $execute0_lowered;
	[smem:$0x3FD2] =	sst s25  }
0xa6: {  	s5 =	sshll.u32 s26, $0x1;
	_ =	strace $0x80000046;
	[dreg:$0x1] =	wrdreg $0xFFFFFFFF  }
0xa7: {  	s28 =	simm.s32 $_size_execute0_lowered;
	s3 =	sadd.s32 s3, s5;
	[dreg:$0x0] =	wrdreg $0x0  }
0xa8: {  	s5 =	sshll.u32 s28, $0x1;
	[dreg:$0x2] =	wrdreg s3  }
0xa9: {  	[dreg:$0x3] =	wrdreg s5  }
0xaa: {  	[dreg:$0x4] =	wrdreg $0xC0  }
0xab: {  	_ =	task [dreg:s7], $0x5FFFF  }
0xac: {  	[dreg:$0x1] =	wrdreg $0xFFFFFFFF  }
0xad: {  	[dreg:$0x0] =	wrdreg $0x60  }
0xae: {  	[dreg:$0x2] =	wrdreg s2  }
0xaf: {  	[dreg:$0x3] =	wrdreg s24  }
0xb0: {  	[dreg:$0x4] =	wrdreg $0x52800  }
0xb1: {  	[dreg:$0x5] =	wrdreg $0x66800  }
0xb2: {  	[dreg:$0x6] =	wrdreg $0x9  }
0xb3: {  	_ =	task.clear_ibuf [dreg:s7], $0x7FFFF;
	_ =	strace $0x90000046  }
0xb4: {  	s29 =	simm.s32 $0x9;
	_ =	strace $0x80000048  }
0xb5: {  	_ =	swait.ge [sflag:s29], $0x1  }
0xb6: {  	[sflag:s29] =	ssyncadd.s32 $0xFFFFFFFF  }
0xb7: {  	_ =	strace $0x90000048  }
0xb8: {  	_ =	sfence  }
0xb9: {  	s30 =	sld [smem:$0x0];
	_ =	sdelay $0x2  }
0xba: {  	s31 =	sshll.u32 s1, $0xD;
	s1 =	sshrl.u32 s1, $0x2  }
0xbb: {  	s3 =	sand.u32 $0x4000, s31;
	s1 =	sadd.s32 s1, s30  }
0xbc: {  	s0 =	sor.u32 s3, s0;
	s1 =	sshll.u32 s1, $0x11  }
0xbd: {  	s0 =	sor.u32 s1, s0  }
0xbe: {  	s0 =	sadd.s32 $0x8F2B, s0  }
0xbf: {  	[sflag:s0] =	ssyncadd.remote.s32 $0x1  }
0xc0: {  	_ =	sfence.sel $0xFFFF  }
0xc1: {  	[dreg:$0x0] =	wrdreg $0xFFFFFFFF;
	(pc) =	sbr.abs _section_cstart, $3  }
0xc2: {  	[dreg:$0x1] =	wrdreg $0xFFFFFFFF  }
0xc3: {  	_ =	task.clear_ibuf [dreg:s7], $0x2FFFF;
	_ =	strace $0x9FFFFFFF  }
0xc4: {  	(tm) =	ssettm $0x7FFFFFFF  }
0xc5: {  	_ =	shalt  }
tec
execute0_lowered:
.L_overlay_start_1:
0x0: {  	(tag) =	ssettag $0x1  }
0x1: {  	s8 =	rddreg [dreg:$0x0]  }
0x2: {  	s7 =	rddreg [dreg:$0x1]  }
0x3: {  	s2 =	rddreg [dreg:$0x2]  }
0x4: {  	s0 =	srdreg.scid;
	s3 =	rddreg [dreg:$0x3];
	s4 =	simm.s32 $0x0  }
0x5: {  	s16 =	simm.s32 $0x27C0;
	s17 =	simm.s32 $0x1;
	s18 =	simm.s32 $0x60  }
0x6: {  	s19 =	simm.s32 $0x2;
	s20 =	simm.s32 $0x3;
	s22 =	simm.s32 $0x4  }
0x7: {  	s23 =	simm.s32 $0x0;
	s6 =	sand.u32 $0x1, s0;
	s0 =	stileid.u32  }
0x8: {  	[smem:$0x7FF] =	sst s4;
	s1 =	sshll.u32 s6, $0x4;
	s10 =	smul.u32 $0x1400, s0  }
0x9: {  	s5 =	smul.u32 $0x14000, s6;
	s13 =	ssub.s32 $0x2, s6;
	s6 =	sadd.s32 $0xBE00, s7  }
0xa: {  	s21 =	sshll.u32 s0, $0x6;
	s1 =	sor.u32 s0, s1;
	s31 =	sshrl.u32 s13, $0x1  }
0xb: {  	s9 =	smul.u32 $0x4F8, s1;
	s1 =	rddreg [dreg:$0x4];
	_ =	strace $0x80000047  }
0xc: {  	s12 =	sadd.s32 s10, s5;
	s5 =	sadd.s32 $0xC200, s7;
	s13 =	ssub.s32 s13, s31  }
0xd: {  	s14 =	sadd.s32 s10, s2;
	s15 =	sadd.s32 s10, s3;
	s12 =	sshrl.u32 s12, $0x3  }
0xe: {  	s11 =	sadd.s32 s9, s7;
	s12 =	sadd.s32 s12, s7;
	s7 =	sor.u32 $0x1C01, s21  }
0xf: {  	s8 =	sadd.s32 s8, s9;
	s21 =	sor.u32 $0x1C04, s21;
	s9 =	sadd.s32 $0x1E00, s11  }
0x10: {  	s10 =	sadd.s32 $0x11400, s12;
	s11 =	sadd.s32 $0xC400, s12;
	s12 =	smax.u32 s13, $0x1  }
0x11: {  	s13 =	sshrl.u32 s14, $0x3;
	s14 =	sshrl.u32 s15, $0x3;
	s15 =	simm.s32 $0x4F80  }
.LBB2_1:
0x12: {  	[spmem:s13], [sflag:s7] =	dma.local [hbm:s6], $0x280  }
0x13: {  	[spmem:s14], [sflag:s7] =	dma.local [hbm:s6], $0x280  }
0x14: {  	[tilespmem:s15], [sflag:$0x1] =	stream.linear.gather [hbm4b:s5+s4], $0x300, $0x38;
	[tilespmem:$0x7A80] =	vst v63  }
0x15: {  	_ = 	snop  }
0x16: {  	[tilespmem:s4], [sflag:$0x1] =	stream.linear.gather [hbm4b:s8+s4], $0x27C0, $0x38;
	[tilespmem:$0x7A80] =	vst v63  }
0x17: {  	_ = 	snop  }
0x18: {  	[tilespmem:s16], [sflag:$0x1] =	stream.linear.gather [hbm4b:s9+s4], $0x27C0, $0x38;
	[tilespmem:$0x7A80] =	vst v63  }
0x19: {  	_ =	swait.ge [sflag:s17], $0x280  }
0x1a: {  	[sflag:s17] =	ssyncset.done $0x0  }
0x1b: {  	[sflag:s17] =	ssyncadd.s32 $0xFFFFFD80  }
0x1c: {  	_ =	swait.ge [sflag:s17], $0x280  }
0x1d: {  	[sflag:s17] =	ssyncset.done $0x0  }
0x1e: {  	[sflag:s17] =	ssyncadd.s32 $0xFFFFFD80  }
0x1f: {  	_ =	swait.ge [sflag:s17], $0x300  }
0x20: {  	[sflag:s17] =	ssyncset.done $0x0  }
0x21: {  	[sflag:s17] =	ssyncadd.s32 $0xFFFFFD00  }
0x22: {  	_ =	swait.ge [sflag:s17], $0x27C0  }
0x23: {  	[sflag:s17] =	ssyncset.done $0x0  }
0x24: {  	[sflag:s17] =	ssyncadd.s32 $0xFFFFD840  }
0x25: {  	_ =	swait.ge [sflag:s17], $0x27C0  }
0x26: {  	[sflag:s17] =	ssyncset.done $0x0  }
0x27: {  	[sflag:s17] =	ssyncadd.s32 $0xFFFFD840  }
0x28: {  	[bflag:$0x0] =	sbarrier.arrive $0xFFFF  }
0x29: {  	[spmem:s2] =	stream.indirect.scatter.add.f32 [tilespmem:s15], [sflag:$0x2], $0x8, s4, s18, $0xb8;
	[tilespmem:$0x7A80] =	vst v63  }
0x2a: {  	_ = 	snop  }
0x2b: {  	[spmem:s3] =	stream.indirect.scatter.add.f32 [tilespmem:s15], [sflag:$0x3], $0x8, s16, s18, $0xb8;
	[tilespmem:$0x7A80] =	vst v63  }
0x2c: {  	s24 =	simm.s32 $0x60  }
0x2d: {  	[spmem:s2] =	stream.indirect.scatter.add.f32 [tilespmem:s15], [sflag:$0x2], $0x8, s24, s18, $0xb8;
	[tilespmem:$0x7A80] =	vst v63  }
0x2e: {  	s31 =	simm.s32 $0x2820  }
0x2f: {  	[spmem:s3] =	stream.indirect.scatter.add.f32 [tilespmem:s15], [sflag:$0x3], $0x8, s31, s18, $0xb8;
	[tilespmem:$0x7A80] =	vst v63  }
0x30: {  	_ =	swait.ge [sflag:s19], $0x300  }
0x31: {  	[sflag:s19] =	ssyncset.done $0x0  }
0x32: {  	[sflag:s19] =	ssyncadd.s32 $0xFFFFFD00  }
0x33: {  	_ =	swait.ge [sflag:s20], $0x300  }
0x34: {  	s25 =	simm.s32 $0x480;
	s24 =	simm.s32 $0x300;
	[sflag:s20] =	ssyncset.done $0x0  }
.LBB2_2:
0x35: {  	s26 =	sshra.s32 s24, $0x2  }
0x36: {  	[sflag:s20] =	ssyncadd.s32 $0xFFFFFD00;
	s24 =	smov.u32 s25;
	s28 =	sadd.s32 $0x180, s25  }
0x37: {  	[spmem:s2] =	stream.indirect.scatter.add.f32 [tilespmem:s15], [sflag:$0x2], $0x8, s26, s18, $0xb8;
	[tilespmem:$0x7A80] =	vst v63  }
0x38: {  	p0 =	sne.s32 s25, $0x9D80;
	s25 =	sadd.s32 $0x27C0, s26  }
0x39: {  	[spmem:s3] =	stream.indirect.scatter.add.f32 [tilespmem:s15], [sflag:$0x3], $0x8, s25, s18, $0xb8;
	[tilespmem:$0x7A80] =	vst v63  }
.Ltmp0:
0x3a: {  	_ =	swait.ge [sflag:s19], $0x300;
	(pc) =	sbr.rel @p0 .LBB2_2-.Ltmp0, $4  }
0x3b: {  	[sflag:s19] =	ssyncset.done $0x0  }
0x3c: {  	[sflag:s19] =	ssyncadd.s32 $0xFFFFFD00  }
0x3d: {  	_ =	swait.ge [sflag:s20], $0x300  }
0x3e: {  	s25 =	smov.u32 s28;
	[sflag:s20] =	ssyncset.done $0x0  }
0x3f: {  	s24 =	sshra.s32 s24, $0x2;
	[sflag:s20] =	ssyncadd.s32 $0xFFFFFD00  }
0x40: {  	[spmem:s2] =	stream.indirect.scatter.add.f32 [tilespmem:s15], [sflag:$0x2], $0x8, s24, s18, $0xb8;
	[tilespmem:$0x7A80] =	vst v63  }
0x41: {  	s24 =	sadd.s32 $0x27C0, s24  }
0x42: {  	[spmem:s3] =	stream.indirect.scatter.add.f32 [tilespmem:s15], [sflag:$0x3], $0x8, s24, s18, $0xb8;
	[tilespmem:$0x7A80] =	vst v63  }
0x43: {  	_ =	swait.ge [sflag:s19], $0x300  }
0x44: {  	[sflag:s19] =	ssyncset.done $0x0  }
0x45: {  	[sflag:s19] =	ssyncadd.s32 $0xFFFFFD00  }
0x46: {  	_ =	swait.ge [sflag:s20], $0x300  }
0x47: {  	[sflag:s20] =	ssyncset.done $0x0  }
0x48: {  	[sflag:s20] =	ssyncadd.s32 $0xFFFFFD00  }
0x49: {  	_ =	swait.ge [sflag:s19], $0x300  }
0x4a: {  	[sflag:s19] =	ssyncset.done $0x0  }
0x4b: {  	[sflag:s19] =	ssyncadd.s32 $0xFFFFFD00  }
0x4c: {  	_ =	swait.ge [sflag:s20], $0x300  }
0x4d: {  	[sflag:s20] =	ssyncset.done $0x0  }
0x4e: {  	[sflag:s20] =	ssyncadd.s32 $0xFFFFFD00  }
0x4f: {  	[bflag:$0x0] =	sbarrier.arrive $0xFFFF  }
0x50: {  	[hbm:s10], [sflag:s21] =	dma.local [spmem:s13], $0x280  }
0x51: {  	s23 =	sadd.s32 $0x1, s23;
	_ =	swait.ge [sflag:s22], $0x280  }
0x52: {  	p0 =	sne.s32 s23, s12;
	[sflag:s22] =	ssyncset.done $0x0  }
.Ltmp1:
0x53: {  	[sflag:s22] =	ssyncadd.s32 $0xFFFFFD80;
	(pc) =	sbr.rel @p0 .LBB2_1-.Ltmp1, $4  }
0x54: {  	[hbm:s11], [sflag:s21] =	dma.local [spmem:s14], $0x280  }
0x55: {  	_ =	swait.ge [sflag:s22], $0x280  }
0x56: {  	[sflag:s22] =	ssyncset.done $0x0  }
0x57: {  	[sflag:s22] =	ssyncadd.s32 $0xFFFFFD80  }
0x58: {  	_ =	sfence.sel $0x180000  }
0x59: {  	[bflag:$0x0] =	sbarrier.arrive $0xFFFF  }
0x5a: {  	p0 =	sne.s32 s0, $0x0;
	_ =	strace $0x90000047  }
0x5b: {  	s0 =	sadd.s32 @!p0 $0x100000, s1;
	[bflag:$0x2] =	sbarrier.arrive $0xFFFF  }
0x5c: {  	[sflag:s0] =	ssyncadd.tile.s32 @!p0 $0x1;
	_ =	shalt  }
.Lfunc_end2:
_tile_overlayer_lowered:
.L_overlay_start_2:
0x5d: {  	(tag) =	ssettag $0x2  }
0x5e: {  	s0 =	rddreg [dreg:$0x0];
	s2 =	stileid.u32  }
0x5f: {  	s1 =	rddreg [dreg:$0x1];
	p0 =	sne.s32 s2, $0x0  }
0x60: {  	s3 =	rddreg [dreg:$0x2];
	[bflag:$0x3] =	sbarrier.arrive $0xFFFF;
	s2 =	simm.s32 @!p0 $0x1C04  }
0x61: {  	[timem:s3], [sflag:s2] =	dma.local @!p0 [hbm:s0], s1  }
0x62: {  	s0 =	simm.s32 @!p0 $0x4  }
0x63: {  	_ =	swait.ge @!p0 [sflag:s0], s1  }
0x64: {  	s1 =	ssub.s32 @!p0 $0x0, s1;
	[sflag:s0] =	ssyncset.done @!p0 $0x0  }
0x65: {  	[sflag:s0] =	ssyncadd.s32 @!p0 s1  }
0x66: {  	[bflag:$0x3] =	sbarrier.arrive $0xFFFF  }
0x67: {  	_ =	shalt  }

</sc_bundles>
